<compile_context>
chip_gen: v7x
topology: tpu7x:2x2x1
jax: 0.10.2.dev20260603
libtpu: 0.0.44.dev20260713+nightly
codegen_flags: <defaults>
</compile_context>

<pallas_src>
import dataclasses
import functools

import jax
import jax.numpy as jnp
from jax import lax
from jax.experimental import pallas as pl
from jax.experimental.pallas import tpu as pltpu
from jax.experimental.pallas import tpu_sc as plsc

N_NODES = 10000
N_EDGES = 320000
D_IN = 128
D_HID = 128
D_OUT = 64

NP = 10240
NC, NS = 2, 16
NW = NC * NS
CH = 128
EPW = 10240
NCHUNK = EPW // CH
E_PAD = NW * EPW
RPT = NP // NS
NPH = NP // 16
RPH = NPH // NS
HALF = D_HID // 2
NCH2 = E_PAD // NS // CH
BM = 1024



_SC_UNTILED = pltpu.CompilerParams(use_tc_tiling_on_sc=False)
if "needs_layout_passes" in pltpu.CompilerParams.__dataclass_fields__:
    _SC_UNTILED = dataclasses.replace(_SC_UNTILED, needs_layout_passes=False)


def _sc_degree():
    mesh = plsc.VectorSubcoreMesh(core_axis_name="c", subcore_axis_name="s")

    def body(dst_hbm, zeros_hbm, out_hbm, dst_v, pbuf, hibuf, acc,
             sem_idx):
        cid = lax.axis_index("c")
        sid = lax.axis_index("s")
        wid = sid * NC + cid
        base = sid * RPH
        pltpu.async_copy(dst_hbm.at[wid], dst_v, sem_idx)
        pltpu.sync_copy(zeros_hbm, pbuf)
        pltpu.sync_copy(pbuf.at[pl.ds(0, RPH)], acc.at[pl.ds(base, RPH)])
        pltpu.make_async_copy(dst_hbm.at[wid], dst_v, sem_idx).wait()
        plsc.subcore_barrier()

        ones = jnp.ones((16,), jnp.float32)
        zeros = jnp.zeros((16,), jnp.float32)

        @pl.loop(0, NCHUNK)
        def _(j):
            for g in range(CH // 16):
                rowid = lax.iota(jnp.int32, 16) + (g * 16)
                d = dst_v[j, pl.ds(g * 16, 16)]
                hibuf[pl.ds(g * 16, 16)] = lax.shift_right_logical(d, 4)
                plsc.store_scatter(pbuf, [rowid, d & 15], ones)
            pltpu.sync_copy(pbuf, acc.at[hibuf], add=True)
            for g in range(CH // 16):
                rowid = lax.iota(jnp.int32, 16) + (g * 16)
                d = dst_v[j, pl.ds(g * 16, 16)]
                plsc.store_scatter(pbuf, [rowid, d & 15], zeros)

        plsc.subcore_barrier()
        pltpu.sync_copy(acc.at[pl.ds(base, RPH)],
                        out_hbm.at[cid, pl.ds(base, RPH)])

    return pl.kernel(
        body,
        out_type=jax.ShapeDtypeStruct((NC, NPH, 16), jnp.float32),
        mesh=mesh,
        compiler_params=_SC_UNTILED,
        scratch_types=[
            pltpu.VMEM((NCHUNK, CH), jnp.int32),
            pltpu.VMEM((CH, 16), jnp.float32),
            pltpu.VMEM((CH,), jnp.int32),
            pltpu.VMEM_SHARED((NPH, 16), jnp.float32),
            pltpu.SemaphoreType.DMA,
        ],
    )


def _sc_aggregate(D):
    mesh = plsc.VectorSubcoreMesh(core_axis_name="c", subcore_axis_name="s")

    def body(table_hbm, src_hbm, dst_hbm, zeros_hbm, out_hbm,
             src_v, dst_v, g0, g1, acc, sem_idx, gs0, gs1):
        gbufs = [g0, g1]
        gsems = [gs0, gs1]
        cid = lax.axis_index("c")
        sid = lax.axis_index("s")
        wid = sid * NC + cid
        base = sid * RPT
        pltpu.async_copy(src_hbm.at[wid], src_v, sem_idx)
        pltpu.async_copy(dst_hbm.at[wid], dst_v, sem_idx)
        pltpu.sync_copy(zeros_hbm, g0)

        @pl.loop(0, RPT, step=CH)
        def _(r):
            pltpu.sync_copy(g0, acc.at[pl.ds(base + r, CH)])

        pltpu.make_async_copy(src_hbm.at[wid], src_v, sem_idx).wait()
        pltpu.make_async_copy(dst_hbm.at[wid], dst_v, sem_idx).wait()
        plsc.subcore_barrier()

        pltpu.async_copy(table_hbm.at[src_v.at[0]], gbufs[0], gsems[0])

        @pl.loop(0, NCHUNK, step=2)
        def _(j):
            pltpu.make_async_copy(table_hbm.at[src_v.at[j]], gbufs[0],
                                  gsems[0]).wait()
            pltpu.async_copy(table_hbm.at[src_v.at[j + 1]], gbufs[1],
                             gsems[1])
            pltpu.sync_copy(gbufs[0], acc.at[dst_v.at[j]], add=True)
            pltpu.make_async_copy(table_hbm.at[src_v.at[j + 1]], gbufs[1],
                                  gsems[1]).wait()

            @pl.when(j + 2 < NCHUNK)
            def _():
                pltpu.async_copy(table_hbm.at[src_v.at[j + 2]], gbufs[0],
                                 gsems[0])

            pltpu.sync_copy(gbufs[1], acc.at[dst_v.at[j + 1]], add=True)

        plsc.subcore_barrier()
        pltpu.sync_copy(acc.at[pl.ds(base, RPT)],
                        out_hbm.at[cid, pl.ds(base, RPT)])

    return pl.kernel(
        body,
        out_type=jax.ShapeDtypeStruct((NC, NP, D), jnp.float32),
        mesh=mesh,
        compiler_params=_SC_UNTILED,
        scratch_types=[
            pltpu.VMEM((NCHUNK, CH), jnp.int32),
            pltpu.VMEM((NCHUNK, CH), jnp.int32),
            pltpu.VMEM((CH, D), jnp.float32),
            pltpu.VMEM((CH, D), jnp.float32),
            pltpu.VMEM_SHARED((NP, D), jnp.float32),
            pltpu.SemaphoreType.DMA,
            pltpu.SemaphoreType.DMA,
            pltpu.SemaphoreType.DMA,
        ],
    )


def _sc_aggregate_split():
    mesh = plsc.VectorSubcoreMesh(core_axis_name="c", subcore_axis_name="s")

    def body(ta_hbm, tb_hbm, src_hbm, dst_hbm, zeros_hbm, out_hbm,
             src_v, dst_v, g0, g1, acc, sem_idx, gs0, gs1):
        gbufs = [g0, g1]
        gsems = [gs0, gs1]
        cid = lax.axis_index("c")
        sid = lax.axis_index("s")
        base = sid * RPT
        pltpu.async_copy(src_hbm.at[sid], src_v, sem_idx)
        pltpu.async_copy(dst_hbm.at[sid], dst_v, sem_idx)
        pltpu.sync_copy(zeros_hbm, g0)

        @pl.loop(0, RPT, step=CH)
        def _(r):
            pltpu.sync_copy(g0, acc.at[pl.ds(base + r, CH)])

        pltpu.make_async_copy(src_hbm.at[sid], src_v, sem_idx).wait()
        pltpu.make_async_copy(dst_hbm.at[sid], dst_v, sem_idx).wait()
        plsc.subcore_barrier()

        def main(table_hbm):
            pltpu.async_copy(table_hbm.at[src_v.at[0]], gbufs[0], gsems[0])

            @pl.loop(0, NCH2, step=2)
            def _(j):
                pltpu.make_async_copy(table_hbm.at[src_v.at[j]], gbufs[0],
                                      gsems[0]).wait()
                pltpu.async_copy(table_hbm.at[src_v.at[j + 1]], gbufs[1],
                                 gsems[1])
                pltpu.sync_copy(gbufs[0], acc.at[dst_v.at[j]], add=True)
                pltpu.make_async_copy(table_hbm.at[src_v.at[j + 1]],
                                      gbufs[1], gsems[1]).wait()

                @pl.when(j + 2 < NCH2)
                def _():
                    pltpu.async_copy(table_hbm.at[src_v.at[j + 2]],
                                     gbufs[0], gsems[0])

                pltpu.sync_copy(gbufs[1], acc.at[dst_v.at[j + 1]], add=True)

        @pl.when(cid == 0)
        def _():
            main(ta_hbm)

        @pl.when(cid == 1)
        def _():
            main(tb_hbm)

        plsc.subcore_barrier()
        pltpu.sync_copy(acc.at[pl.ds(base, RPT)],
                        out_hbm.at[cid, pl.ds(base, RPT)])

    return pl.kernel(
        body,
        out_type=jax.ShapeDtypeStruct((NC, NP, HALF), jnp.float32),
        mesh=mesh,
        compiler_params=_SC_UNTILED,
        scratch_types=[
            pltpu.VMEM((NCH2, CH), jnp.int32),
            pltpu.VMEM((NCH2, CH), jnp.int32),
            pltpu.VMEM((CH, HALF), jnp.float32),
            pltpu.VMEM((CH, HALF), jnp.float32),
            pltpu.VMEM_SHARED((NP, HALF), jnp.float32),
            pltpu.SemaphoreType.DMA,
            pltpu.SemaphoreType.DMA,
            pltpu.SemaphoreType.DMA,
        ],
    )



def _tc_matmul(xp, W1):
    def body(x_ref, w_ref, o_ref):
        o_ref[...] = jnp.dot(x_ref[...], w_ref[...],
                             preferred_element_type=jnp.float32)

    return pl.pallas_call(
        body,
        grid=(NP // BM,),
        in_specs=[pl.BlockSpec((BM, D_IN), lambda i: (i, 0)),
                  pl.BlockSpec((D_IN, D_HID), lambda i: (0, 0))],
        out_specs=pl.BlockSpec((BM, D_HID), lambda i: (i, 0)),
        out_shape=jax.ShapeDtypeStruct((NP, D_HID), jnp.float32),
    )(xp, W1)


def _tc_scale(h1, cnt):
    def body(h_ref, c_ref, hsa_ref, hsb_ref, isd_ref):
        deg = 1.0 + c_ref[0] + c_ref[1]
        rows = (pl.program_id(0) * BM
                + lax.broadcasted_iota(jnp.int32, (BM, 1), 0))
        deg = deg - jnp.where(rows < (E_PAD - N_EDGES), 1.0, 0.0)
        isd = lax.rsqrt(deg)
        isd_ref[...] = jnp.broadcast_to(isd, (BM, 8))
        hs = h_ref[...] * isd
        hsa_ref[...] = hs[:, :HALF]
        hsb_ref[...] = hs[:, HALF:]

    return pl.pallas_call(
        body,
        grid=(NP // BM,),
        in_specs=[pl.BlockSpec((BM, D_HID), lambda i: (i, 0)),
                  pl.BlockSpec((NC, BM, 1), lambda i: (0, i, 0))],
        out_specs=[pl.BlockSpec((BM, HALF), lambda i: (i, 0)),
                   pl.BlockSpec((BM, HALF), lambda i: (i, 0)),
                   pl.BlockSpec((BM, 8), lambda i: (i, 0))],
        out_shape=[jax.ShapeDtypeStruct((NP, HALF), jnp.float32),
                   jax.ShapeDtypeStruct((NP, HALF), jnp.float32),
                   jax.ShapeDtypeStruct((NP, 8), jnp.float32)],
    )(h1, cnt)


def _tc_layer2(agg1, hsa, hsb, isd, b1, W2):
    def body(a_ref, ha_ref, hb_ref, s_ref, b_ref, w_ref, o_ref):
        s = s_ref[:, 0:1]
        outa = jnp.maximum(s * (a_ref[0] + ha_ref[...]) + b_ref[:, :HALF],
                           0.0)
        outb = jnp.maximum(s * (a_ref[1] + hb_ref[...]) + b_ref[:, HALF:],
                           0.0)
        acc = jnp.dot(outa, w_ref[:HALF, :],
                      preferred_element_type=jnp.float32)
        acc = acc + jnp.dot(outb, w_ref[HALF:, :],
                            preferred_element_type=jnp.float32)
        rows = (pl.program_id(0) * BM
                + lax.broadcasted_iota(jnp.int32, (BM, 1), 0))
        o_ref[...] = jnp.where(rows < N_NODES, acc * s, 0.0)

    return pl.pallas_call(
        body,
        grid=(NP // BM,),
        in_specs=[pl.BlockSpec((NC, BM, HALF), lambda i: (0, i, 0)),
                  pl.BlockSpec((BM, HALF), lambda i: (i, 0)),
                  pl.BlockSpec((BM, HALF), lambda i: (i, 0)),
                  pl.BlockSpec((BM, 8), lambda i: (i, 0)),
                  pl.BlockSpec((1, D_HID), lambda i: (0, 0)),
                  pl.BlockSpec((D_HID, D_OUT), lambda i: (0, 0))],
        out_specs=pl.BlockSpec((BM, D_OUT), lambda i: (i, 0)),
        out_shape=jax.ShapeDtypeStruct((NP, D_OUT), jnp.float32),
    )(agg1, hsa, hsb, isd, b1, W2)


def _tc_final(agg2, hs2, isd, b2):
    def body(a_ref, h_ref, s_ref, b_ref, o_ref):
        agg = a_ref[0] + a_ref[1] + h_ref[...]
        o_ref[...] = s_ref[:, 0:1] * agg + b_ref[...]

    return pl.pallas_call(
        body,
        grid=(NP // BM,),
        in_specs=[pl.BlockSpec((NC, BM, D_OUT), lambda i: (0, i, 0)),
                  pl.BlockSpec((BM, D_OUT), lambda i: (i, 0)),
                  pl.BlockSpec((BM, 8), lambda i: (i, 0)),
                  pl.BlockSpec((1, D_OUT), lambda i: (0, 0))],
        out_specs=pl.BlockSpec((BM, D_OUT), lambda i: (i, 0)),
        out_shape=jax.ShapeDtypeStruct((NP, D_OUT), jnp.float32),
    )(agg2, hs2, isd, b2)



def kernel(x, edge_index, W1, b1, W2, b2):
    x = x.astype(jnp.float32)
    src = edge_index[0].astype(jnp.int32)
    dst = edge_index[1].astype(jnp.int32)
    npad = E_PAD - N_EDGES
    pad_src = N_NODES + (jnp.arange(npad, dtype=jnp.int32) % (NP - N_NODES))
    pad_dst = jnp.arange(npad, dtype=jnp.int32) % NP
    srcp = jnp.concatenate([src, pad_src])
    dstp = jnp.concatenate([dst, pad_dst])
    src3 = srcp.reshape(NW, NCHUNK, CH)
    dst3 = dstp.reshape(NW, NCHUNK, CH)
    srcS = srcp.reshape(NS, NCH2, CH)
    dstS = dstp.reshape(NS, NCH2, CH)
    xp = jnp.pad(x, ((0, NP - N_NODES), (0, 0)))
    z64 = jnp.zeros((CH, D_OUT), jnp.float32)
    z16 = jnp.zeros((CH, 16), jnp.float32)

    cnt = _sc_degree()(dst3, z16)
    h1 = _tc_matmul(xp, W1)
    hsa, hsb, isd = _tc_scale(h1, cnt.reshape(NC, NP, 1))
    agg1 = _sc_aggregate_split()(hsa, hsb, srcS, dstS, z64)
    hs2 = _tc_layer2(agg1, hsa, hsb, isd, b1.reshape(1, D_HID), W2)
    agg2 = _sc_aggregate(D_OUT)(hs2, src3, dst3, z64)
    out = _tc_final(agg2, hs2, isd, b2.reshape(1, D_OUT))
    return out[:N_NODES]

# --- scband reference (transcript-rebuilt; emitter-appended) ---
"""Pipeline reference for scband-jk-gcn-61847529062404 (READ-ONLY COPY).

The authoritative reference and input builder live on the scoring server;
editing this copy changes nothing except your own understanding.
"""

import jax, jax.numpy as jnp
import numpy as np

N_NODES = 10000
N_EDGES = 320000
D_IN = 128
D_HID = 128
D_OUT = 64


def setup_inputs(seed: int = 0) -> dict:
    key = jax.random.key(seed)
    k_x, k_e, k_w1, k_b1, k_w2, k_b2 = jax.random.split(key, 6)
    x = jax.random.normal(k_x, (N_NODES, D_IN), dtype=jnp.float32)
    edge_index = jax.random.randint(k_e, (2, N_EDGES), 0, N_NODES, dtype=jnp.int64)
    W1 = jax.random.normal(k_w1, (D_IN, D_HID), dtype=jnp.float32) * (1.0 / np.sqrt(D_IN))
    b1 = jnp.zeros((D_HID,), dtype=jnp.float32)
    W2 = jax.random.normal(k_w2, (D_HID, D_OUT), dtype=jnp.float32) * (1.0 / np.sqrt(D_HID))
    b2 = jnp.zeros((D_OUT,), dtype=jnp.float32)
    return {"x": x, "edge_index": edge_index, "W1": W1, "b1": b1, "W2": W2, "b2": b2}


def _gcn_layer(h_in, W, b, src, dst, inv_sqrt_deg, act):
    # GraphConvolution: A_hat @ (X @ W) + b, with A_hat = D^-1/2 (A + I) D^-1/2
    h = h_in @ W
    edge_norm = (inv_sqrt_deg[src] * inv_sqrt_deg[dst])[:, None]
    msgs = jnp.take(h, src, axis=0) * edge_norm
    agg = jnp.zeros_like(h).at[dst].add(msgs)
    # self-loop contribution: norm = 1/deg
    agg = agg + h * (inv_sqrt_deg ** 2)[:, None]
    return act(agg + b)


def reference(x, edge_index, W1, b1, W2, b2):
    src = edge_index[0]
    dst = edge_index[1]
    # degree with self-loops (A + I)
    deg = jnp.ones((N_NODES,), dtype=jnp.float32).at[dst].add(jnp.ones((N_EDGES,), dtype=jnp.float32))
    inv_sqrt_deg = 1.0 / jnp.sqrt(deg)
    h1 = _gcn_layer(x, W1, b1, src, dst, inv_sqrt_deg, jax.nn.relu)
    out = _gcn_layer(h1, W2, b2, src, dst, inv_sqrt_deg, lambda v: v)
    return out

if __name__ == "__main__":
    import jax
    _d = setup_inputs()
    print(jax.jit(kernel)(*tuple(_d.values())))

</pallas_src>

<mosaic_0001>
#map = affine_map<(d0, d1) -> (0, 0, 0)>
#map1 = affine_map<(d0, d1) -> (0, 0)>
module attributes {stable_mosaic.version = 14 : i64} {
  func.func @body(%arg0: i32, %arg1: i32, %arg2: memref<32x80x128xi32, #tpu.memory_space<hbm>>, %arg3: memref<128x16xf32, #tpu.memory_space<hbm>>, %arg4: memref<2x640x16xf32, #tpu.memory_space<hbm>>, %arg5: memref<80x128xi32, #tpu.memory_space<vmem>>, %arg6: memref<128x16xf32, #tpu.memory_space<vmem>>, %arg7: memref<128xi32, #tpu.memory_space<vmem>>, %arg8: memref<640x16xf32, #tpu.memory_space<vmem_shared>>, %arg9: memref<!tpu.dma_semaphore, #tpu.memory_space<semaphore_mem>>) attributes {dimension_semantics = [#tpu.dimension_semantics<core_parallel>, #tpu.dimension_semantics<subcore_parallel>], iteration_bounds = array<i64: 2, 16>, scalar_prefetch = 0 : i64, scratch_operands = 5 : i64, tpu.core_type = #tpu.core_type<sc_vector_subcore>, window_params = [{transform_indices = #map}, {transform_indices = #map1}, {transform_indices = #map}]} {
    %mul3A = arith.constant 2 : i32
    %mul3A_0 = arith.muli %arg1, %mul3A : i32
    %add3A = arith.addi %mul3A_0, %arg0 : i32
    %mul3A_1 = arith.constant 40 : i32
    %mul3A_2 = arith.muli %arg1, %mul3A_1 : i32
    %dma_start3A = arith.constant 0 : i32
    %dma_start3A_3 = arith.constant 0 : i32
    %dma_start3A_4 = tpu.memref_slice %arg2[%add3A, %dma_start3A, %dma_start3A_3] : memref<32x80x128xi32, #tpu.memory_space<hbm>> -> memref<1x80x128xi32, #tpu.memory_space<hbm>>
    %dma_start3A_5 = tpu.memref_squeeze %dma_start3A_4 : memref<1x80x128xi32, #tpu.memory_space<hbm>> -> memref<80x128xi32, #tpu.memory_space<hbm>>
    %dma_start3A_6 = arith.constant 0 : i32
    %dma_start3A_7 = arith.constant 0 : i32
    %dma_start3A_8 = tpu.memref_slice %arg2[%add3A, %dma_start3A_6, %dma_start3A_7] : memref<32x80x128xi32, #tpu.memory_space<hbm>> -> memref<1x80x128xi32, #tpu.memory_space<hbm>>
    %dma_start3A_9 = tpu.memref_squeeze %dma_start3A_8 : memref<1x80x128xi32, #tpu.memory_space<hbm>> -> memref<80x128xi32, #tpu.memory_space<hbm>>
    tpu.enqueue_dma source(%dma_start3A_9 : memref<80x128xi32, #tpu.memory_space<hbm>>) target(%arg5 : memref<80x128xi32, #tpu.memory_space<vmem>>) target_semaphore(%arg9 : memref<!tpu.dma_semaphore, #tpu.memory_space<semaphore_mem>>)
    "tpu.region"() ({
      %run_scoped3A = tpu.sem_alloc : memref<!tpu.dma_semaphore, #tpu.memory_space<semaphore_mem>>
      tpu.enqueue_dma source(%arg3 : memref<128x16xf32, #tpu.memory_space<hbm>>) target(%arg6 : memref<128x16xf32, #tpu.memory_space<vmem>>) target_semaphore(%run_scoped3A : memref<!tpu.dma_semaphore, #tpu.memory_space<semaphore_mem>>)
      tpu.wait_dma2 semaphore(%run_scoped3A : memref<!tpu.dma_semaphore, #tpu.memory_space<semaphore_mem>>) src(%arg3 : memref<128x16xf32, #tpu.memory_space<hbm>>) dst(%arg6 : memref<128x16xf32, #tpu.memory_space<vmem>>)
      tpu.yield
    }) : () -> ()
    "tpu.region"() ({
      %run_scoped3A = tpu.sem_alloc : memref<!tpu.dma_semaphore, #tpu.memory_space<semaphore_mem>>
      %dma_start3A_25 = arith.constant 0 : i32
      %dma_start3A_26 = arith.constant 0 : i32
      %dma_start3A_27 = tpu.memref_slice %arg6[%dma_start3A_25, %dma_start3A_26] : memref<128x16xf32, #tpu.memory_space<vmem>> -> memref<40x16xf32, #tpu.memory_space<vmem>>
      %dma_start3A_28 = arith.constant 0 : i32
      %dma_start3A_29 = tpu.memref_slice %arg8[%mul3A_2, %dma_start3A_28] : memref<640x16xf32, #tpu.memory_space<vmem_shared>> -> memref<40x16xf32, #tpu.memory_space<vmem_shared>>
      %dma_start3A_30 = arith.constant 0 : i32
      %dma_start3A_31 = tpu.memref_slice %arg8[%mul3A_2, %dma_start3A_30] : memref<640x16xf32, #tpu.memory_space<vmem_shared>> -> memref<40x16xf32, #tpu.memory_space<vmem_shared>>
      %dma_start3A_32 = arith.constant 0 : i32
      %dma_start3A_33 = arith.constant 0 : i32
      %dma_start3A_34 = tpu.memref_slice %arg6[%dma_start3A_32, %dma_start3A_33] : memref<128x16xf32, #tpu.memory_space<vmem>> -> memref<40x16xf32, #tpu.memory_space<vmem>>
      tpu.enqueue_dma source(%dma_start3A_34 : memref<40x16xf32, #tpu.memory_space<vmem>>) target(%dma_start3A_31 : memref<40x16xf32, #tpu.memory_space<vmem_shared>>) target_semaphore(%run_scoped3A : memref<!tpu.dma_semaphore, #tpu.memory_space<semaphore_mem>>)
      %dma_wait3A_35 = arith.constant 0 : i32
      %dma_wait3A_36 = arith.constant 0 : i32
      %dma_wait3A_37 = tpu.memref_slice %arg6[%dma_wait3A_35, %dma_wait3A_36] : memref<128x16xf32, #tpu.memory_space<vmem>> -> memref<40x16xf32, #tpu.memory_space<vmem>>
      %dma_wait3A_38 = arith.constant 0 : i32
      %dma_wait3A_39 = tpu.memref_slice %arg8[%mul3A_2, %dma_wait3A_38] : memref<640x16xf32, #tpu.memory_space<vmem_shared>> -> memref<40x16xf32, #tpu.memory_space<vmem_shared>>
      %dma_wait3A_40 = arith.constant 0 : i32
      %dma_wait3A_41 = tpu.memref_slice %arg8[%mul3A_2, %dma_wait3A_40] : memref<640x16xf32, #tpu.memory_space<vmem_shared>> -> memref<40x16xf32, #tpu.memory_space<vmem_shared>>
      %dma_wait3A_42 = arith.constant 0 : i32
      %dma_wait3A_43 = arith.constant 0 : i32
      %dma_wait3A_44 = tpu.memref_slice %arg6[%dma_wait3A_42, %dma_wait3A_43] : memref<128x16xf32, #tpu.memory_space<vmem>> -> memref<40x16xf32, #tpu.memory_space<vmem>>
      tpu.wait_dma2 semaphore(%run_scoped3A : memref<!tpu.dma_semaphore, #tpu.memory_space<semaphore_mem>>) src(%dma_wait3A_44 : memref<40x16xf32, #tpu.memory_space<vmem>>) dst(%dma_wait3A_41 : memref<40x16xf32, #tpu.memory_space<vmem_shared>>)
      tpu.yield
    }) : () -> ()
    %dma_wait3A = arith.constant 0 : i32
    %dma_wait3A_10 = arith.constant 0 : i32
    %dma_wait3A_11 = tpu.memref_slice %arg2[%add3A, %dma_wait3A, %dma_wait3A_10] : memref<32x80x128xi32, #tpu.memory_space<hbm>> -> memref<1x80x128xi32, #tpu.memory_space<hbm>>
    %dma_wait3A_12 = tpu.memref_squeeze %dma_wait3A_11 : memref<1x80x128xi32, #tpu.memory_space<hbm>> -> memref<80x128xi32, #tpu.memory_space<hbm>>
    %dma_wait3A_13 = arith.constant 0 : i32
    %dma_wait3A_14 = arith.constant 0 : i32
    %dma_wait3A_15 = tpu.memref_slice %arg2[%add3A, %dma_wait3A_13, %dma_wait3A_14] : memref<32x80x128xi32, #tpu.memory_space<hbm>> -> memref<1x80x128xi32, #tpu.memory_space<hbm>>
    %dma_wait3A_16 = tpu.memref_squeeze %dma_wait3A_15 : memref<1x80x128xi32, #tpu.memory_space<hbm>> -> memref<80x128xi32, #tpu.memory_space<hbm>>
    tpu.wait_dma2 semaphore(%arg9 : memref<!tpu.dma_semaphore, #tpu.memory_space<semaphore_mem>>) src(%dma_wait3A_16 : memref<80x128xi32, #tpu.memory_space<hbm>>) dst(%arg5 : memref<80x128xi32, #tpu.memory_space<vmem>>)
    %barrier3A = arith.constant 0 : index
    tpu.barrier barrier_id(%barrier3A)
    %broadcast_in_dim3A = arith.constant 1.000000e+00 : f32
    %broadcast_in_dim3A_17 = vector.broadcast %broadcast_in_dim3A : f32 to vector<16xf32>
    %broadcast_in_dim3A_18 = arith.constant 0.000000e+00 : f32
    %broadcast_in_dim3A_19 = vector.broadcast %broadcast_in_dim3A_18 : f32 to vector<16xf32>
    %scan3A = arith.constant 0 : i32
    %scan3A_20 = arith.constant 80 : i32
    %scan3A_21 = arith.addi %scan3A, %scan3A_20 : i32
    %scan3A_22 = arith.constant 1 : i32
    scf.for %scan3A_25 = %scan3A to %scan3A_21 step %scan3A_22  : i32 {
      %mul3A_26 = arith.constant 1 : i32
      %mul3A_27 = arith.muli %scan3A_25, %mul3A_26 : i32
      %add3A_28 = arith.constant 0 : i32
      %add3A_29 = arith.addi %add3A_28, %mul3A_27 : i32
      %iota3A = tpu.iota {dimensions = array<i32: 0>} : vector<16xi32>
      %add3A_30 = arith.constant 0 : i32
      %add3A_31 = vector.broadcast %add3A_30 : i32 to vector<16xi32>
      %add3A_32 = arith.addi %iota3A, %add3A_31 : vector<16xi32>
      %get3A = arith.index_cast %add3A_29 : i32 to index
      %get3A_33 = arith.constant 0 : index
      %get3A_34 = tpu.vector_load %arg5[%get3A, %get3A_33] {strides = array<i32>} : memref<80x128xi32, #tpu.memory_space<vmem>>, vector<16xi32>,
      %shift_right_logical3A = arith.constant 4 : i32
      %shift_right_logical3A_35 = vector.broadcast %shift_right_logical3A : i32 to vector<16xi32>
      %shift_right_logical3A_36 = arith.shrui %get3A_34, %shift_right_logical3A_35 : vector<16xi32>
      %swap3A = arith.constant 0 : index
      %swap3A_37 = tpu.vector_load %arg7[%swap3A] {strides = array<i32>} : memref<128xi32, #tpu.memory_space<vmem>>, vector<16xi32>,
      tpu.vector_store %arg7[%swap3A], %shift_right_logical3A_36 {strides = array<i32>} : memref<128xi32, #tpu.memory_space<vmem>>, vector<16xi32>,
      %and3A = arith.constant 15 : i32
      %and3A_38 = vector.broadcast %and3A : i32 to vector<16xi32>
      %and3A_39 = arith.andi %get3A_34, %and3A_38 : vector<16xi32>
      tpu.vector_store_idx %arg6[%add3A_32, %and3A_39], %broadcast_in_dim3A_17 : memref<128x16xf32, #tpu.memory_space<vmem>>[vector<16xi32>, vector<16xi32>], vector<16xf32>,
      %iota3A_40 = tpu.iota {dimensions = array<i32: 0>} : vector<16xi32>
      %add3A_41 = arith.constant 16 : i32
      %add3A_42 = vector.broadcast %add3A_41 : i32 to vector<16xi32>
      %add3A_43 = arith.addi %iota3A_40, %add3A_42 : vector<16xi32>
      %get3A_44 = arith.index_cast %add3A_29 : i32 to index
      %get3A_45 = arith.constant 16 : index
      %get3A_46 = tpu.vector_load %arg5[%get3A_44, %get3A_45] {strides = array<i32>} : memref<80x128xi32, #tpu.memory_space<vmem>>, vector<16xi32>,
      %shift_right_logical3A_47 = arith.constant 4 : i32
      %shift_right_logical3A_48 = vector.broadcast %shift_right_logical3A_47 : i32 to vector<16xi32>
      %shift_right_logical3A_49 = arith.shrui %get3A_46, %shift_right_logical3A_48 : vector<16xi32>
      %swap3A_50 = arith.constant 16 : index
      %swap3A_51 = tpu.vector_load %arg7[%swap3A_50] {strides = array<i32>} : memref<128xi32, #tpu.memory_space<vmem>>, vector<16xi32>,
      tpu.vector_store %arg7[%swap3A_50], %shift_right_logical3A_49 {strides = array<i32>} : memref<128xi32, #tpu.memory_space<vmem>>, vector<16xi32>,
      %and3A_52 = arith.constant 15 : i32
      %and3A_53 = vector.broadcast %and3A_52 : i32 to vector<16xi32>
      %and3A_54 = arith.andi %get3A_46, %and3A_53 : vector<16xi32>
      tpu.vector_store_idx %arg6[%add3A_43, %and3A_54], %broadcast_in_dim3A_17 : memref<128x16xf32, #tpu.memory_space<vmem>>[vector<16xi32>, vector<16xi32>], vector<16xf32>,
      %iota3A_55 = tpu.iota {dimensions = array<i32: 0>} : vector<16xi32>
      %add3A_56 = arith.constant 32 : i32
      %add3A_57 = vector.broadcast %add3A_56 : i32 to vector<16xi32>
      %add3A_58 = arith.addi %iota3A_55, %add3A_57 : vector<16xi32>
      %get3A_59 = arith.index_cast %add3A_29 : i32 to index
      %get3A_60 = arith.constant 32 : index
      %get3A_61 = tpu.vector_load %arg5[%get3A_59, %get3A_60] {strides = array<i32>} : memref<80x128xi32, #tpu.memory_space<vmem>>, vector<16xi32>,
      %shift_right_logical3A_62 = arith.constant 4 : i32
      %shift_right_logical3A_63 = vector.broadcast %shift_right_logical3A_62 : i32 to vector<16xi32>
      %shift_right_logical3A_64 = arith.shrui %get3A_61, %shift_right_logical3A_63 : vector<16xi32>
      %swap3A_65 = arith.constant 32 : index
      %swap3A_66 = tpu.vector_load %arg7[%swap3A_65] {strides = array<i32>} : memref<128xi32, #tpu.memory_space<vmem>>, vector<16xi32>,
      tpu.vector_store %arg7[%swap3A_65], %shift_right_logical3A_64 {strides = array<i32>} : memref<128xi32, #tpu.memory_space<vmem>>, vector<16xi32>,
      %and3A_67 = arith.constant 15 : i32
      %and3A_68 = vector.broadcast %and3A_67 : i32 to vector<16xi32>
      %and3A_69 = arith.andi %get3A_61, %and3A_68 : vector<16xi32>
      tpu.vector_store_idx %arg6[%add3A_58, %and3A_69], %broadcast_in_dim3A_17 : memref<128x16xf32, #tpu.memory_space<vmem>>[vector<16xi32>, vector<16xi32>], vector<16xf32>,
      %iota3A_70 = tpu.iota {dimensions = array<i32: 0>} : vector<16xi32>
      %add3A_71 = arith.constant 48 : i32
      %add3A_72 = vector.broadcast %add3A_71 : i32 to vector<16xi32>
      %add3A_73 = arith.addi %iota3A_70, %add3A_72 : vector<16xi32>
      %get3A_74 = arith.index_cast %add3A_29 : i32 to index
      %get3A_75 = arith.constant 48 : index
      %get3A_76 = tpu.vector_load %arg5[%get3A_74, %get3A_75] {strides = array<i32>} : memref<80x128xi32, #tpu.memory_space<vmem>>, vector<16xi32>,
      %shift_right_logical3A_77 = arith.constant 4 : i32
      %shift_right_logical3A_78 = vector.broadcast %shift_right_logical3A_77 : i32 to vector<16xi32>
      %shift_right_logical3A_79 = arith.shrui %get3A_76, %shift_right_logical3A_78 : vector<16xi32>
      %swap3A_80 = arith.constant 48 : index
      %swap3A_81 = tpu.vector_load %arg7[%swap3A_80] {strides = array<i32>} : memref<128xi32, #tpu.memory_space<vmem>>, vector<16xi32>,
      tpu.vector_store %arg7[%swap3A_80], %shift_right_logical3A_79 {strides = array<i32>} : memref<128xi32, #tpu.memory_space<vmem>>, vector<16xi32>,
      %and3A_82 = arith.constant 15 : i32
      %and3A_83 = vector.broadcast %and3A_82 : i32 to vector<16xi32>
      %and3A_84 = arith.andi %get3A_76, %and3A_83 : vector<16xi32>
      tpu.vector_store_idx %arg6[%add3A_73, %and3A_84], %broadcast_in_dim3A_17 : memref<128x16xf32, #tpu.memory_space<vmem>>[vector<16xi32>, vector<16xi32>], vector<16xf32>,
      %iota3A_85 = tpu.iota {dimensions = array<i32: 0>} : vector<16xi32>
      %add3A_86 = arith.constant 64 : i32
      %add3A_87 = vector.broadcast %add3A_86 : i32 to vector<16xi32>
      %add3A_88 = arith.addi %iota3A_85, %add3A_87 : vector<16xi32>
      %get3A_89 = arith.index_cast %add3A_29 : i32 to index
      %get3A_90 = arith.constant 64 : index
      %get3A_91 = tpu.vector_load %arg5[%get3A_89, %get3A_90] {strides = array<i32>} : memref<80x128xi32, #tpu.memory_space<vmem>>, vector<16xi32>,
      %shift_right_logical3A_92 = arith.constant 4 : i32
      %shift_right_logical3A_93 = vector.broadcast %shift_right_logical3A_92 : i32 to vector<16xi32>
      %shift_right_logical3A_94 = arith.shrui %get3A_91, %shift_right_logical3A_93 : vector<16xi32>
      %swap3A_95 = arith.constant 64 : index
      %swap3A_96 = tpu.vector_load %arg7[%swap3A_95] {strides = array<i32>} : memref<128xi32, #tpu.memory_space<vmem>>, vector<16xi32>,
      tpu.vector_store %arg7[%swap3A_95], %shift_right_logical3A_94 {strides = array<i32>} : memref<128xi32, #tpu.memory_space<vmem>>, vector<16xi32>,
      %and3A_97 = arith.constant 15 : i32
      %and3A_98 = vector.broadcast %and3A_97 : i32 to vector<16xi32>
      %and3A_99 = arith.andi %get3A_91, %and3A_98 : vector<16xi32>
      tpu.vector_store_idx %arg6[%add3A_88, %and3A_99], %broadcast_in_dim3A_17 : memref<128x16xf32, #tpu.memory_space<vmem>>[vector<16xi32>, vector<16xi32>], vector<16xf32>,
      %iota3A_100 = tpu.iota {dimensions = array<i32: 0>} : vector<16xi32>
      %add3A_101 = arith.constant 80 : i32
      %add3A_102 = vector.broadcast %add3A_101 : i32 to vector<16xi32>
      %add3A_103 = arith.addi %iota3A_100, %add3A_102 : vector<16xi32>
      %get3A_104 = arith.index_cast %add3A_29 : i32 to index
      %get3A_105 = arith.constant 80 : index
      %get3A_106 = tpu.vector_load %arg5[%get3A_104, %get3A_105] {strides = array<i32>} : memref<80x128xi32, #tpu.memory_space<vmem>>, vector<16xi32>,
      %shift_right_logical3A_107 = arith.constant 4 : i32
      %shift_right_logical3A_108 = vector.broadcast %shift_right_logical3A_107 : i32 to vector<16xi32>
      %shift_right_logical3A_109 = arith.shrui %get3A_106, %shift_right_logical3A_108 : vector<16xi32>
      %swap3A_110 = arith.constant 80 : index
      %swap3A_111 = tpu.vector_load %arg7[%swap3A_110] {strides = array<i32>} : memref<128xi32, #tpu.memory_space<vmem>>, vector<16xi32>,
      tpu.vector_store %arg7[%swap3A_110], %shift_right_logical3A_109 {strides = array<i32>} : memref<128xi32, #tpu.memory_space<vmem>>, vector<16xi32>,
      %and3A_112 = arith.constant 15 : i32
      %and3A_113 = vector.broadcast %and3A_112 : i32 to vector<16xi32>
      %and3A_114 = arith.andi %get3A_106, %and3A_113 : vector<16xi32>
      tpu.vector_store_idx %arg6[%add3A_103, %and3A_114], %broadcast_in_dim3A_17 : memref<128x16xf32, #tpu.memory_space<vmem>>[vector<16xi32>, vector<16xi32>], vector<16xf32>,
      %iota3A_115 = tpu.iota {dimensions = array<i32: 0>} : vector<16xi32>
      %add3A_116 = arith.constant 96 : i32
      %add3A_117 = vector.broadcast %add3A_116 : i32 to vector<16xi32>
      %add3A_118 = arith.addi %iota3A_115, %add3A_117 : vector<16xi32>
      %get3A_119 = arith.index_cast %add3A_29 : i32 to index
      %get3A_120 = arith.constant 96 : index
      %get3A_121 = tpu.vector_load %arg5[%get3A_119, %get3A_120] {strides = array<i32>} : memref<80x128xi32, #tpu.memory_space<vmem>>, vector<16xi32>,
      %shift_right_logical3A_122 = arith.constant 4 : i32
      %shift_right_logical3A_123 = vector.broadcast %shift_right_logical3A_122 : i32 to vector<16xi32>
      %shift_right_logical3A_124 = arith.shrui %get3A_121, %shift_right_logical3A_123 : vector<16xi32>
      %swap3A_125 = arith.constant 96 : index
      %swap3A_126 = tpu.vector_load %arg7[%swap3A_125] {strides = array<i32>} : memref<128xi32, #tpu.memory_space<vmem>>, vector<16xi32>,
      tpu.vector_store %arg7[%swap3A_125], %shift_right_logical3A_124 {strides = array<i32>} : memref<128xi32, #tpu.memory_space<vmem>>, vector<16xi32>,
      %and3A_127 = arith.constant 15 : i32
      %and3A_128 = vector.broadcast %and3A_127 : i32 to vector<16xi32>
      %and3A_129 = arith.andi %get3A_121, %and3A_128 : vector<16xi32>
      tpu.vector_store_idx %arg6[%add3A_118, %and3A_129], %broadcast_in_dim3A_17 : memref<128x16xf32, #tpu.memory_space<vmem>>[vector<16xi32>, vector<16xi32>], vector<16xf32>,
      %iota3A_130 = tpu.iota {dimensions = array<i32: 0>} : vector<16xi32>
      %add3A_131 = arith.constant 112 : i32
      %add3A_132 = vector.broadcast %add3A_131 : i32 to vector<16xi32>
      %add3A_133 = arith.addi %iota3A_130, %add3A_132 : vector<16xi32>
      %get3A_134 = arith.index_cast %add3A_29 : i32 to index
      %get3A_135 = arith.constant 112 : index
      %get3A_136 = tpu.vector_load %arg5[%get3A_134, %get3A_135] {strides = array<i32>} : memref<80x128xi32, #tpu.memory_space<vmem>>, vector<16xi32>,
      %shift_right_logical3A_137 = arith.constant 4 : i32
      %shift_right_logical3A_138 = vector.broadcast %shift_right_logical3A_137 : i32 to vector<16xi32>
      %shift_right_logical3A_139 = arith.shrui %get3A_136, %shift_right_logical3A_138 : vector<16xi32>
      %swap3A_140 = arith.constant 112 : index
      %swap3A_141 = tpu.vector_load %arg7[%swap3A_140] {strides = array<i32>} : memref<128xi32, #tpu.memory_space<vmem>>, vector<16xi32>,
      tpu.vector_store %arg7[%swap3A_140], %shift_right_logical3A_139 {strides = array<i32>} : memref<128xi32, #tpu.memory_space<vmem>>, vector<16xi32>,
      %and3A_142 = arith.constant 15 : i32
      %and3A_143 = vector.broadcast %and3A_142 : i32 to vector<16xi32>
      %and3A_144 = arith.andi %get3A_136, %and3A_143 : vector<16xi32>
      tpu.vector_store_idx %arg6[%add3A_133, %and3A_144], %broadcast_in_dim3A_17 : memref<128x16xf32, #tpu.memory_space<vmem>>[vector<16xi32>, vector<16xi32>], vector<16xf32>,
      "tpu.region"() ({
        %run_scoped3A = tpu.sem_alloc : memref<!tpu.dma_semaphore, #tpu.memory_space<semaphore_mem>>
        %dma_start3A_225 = arith.constant 0 : i32
        %dma_start3A_226 = arith.constant 0 : i32
        %dma_start3A_227 = tpu.memref_slice %arg8[%dma_start3A_225, %dma_start3A_226] : memref<640x16xf32, #tpu.memory_space<vmem_shared>> -> memref<640x16xf32, #tpu.memory_space<vmem_shared>>
        tpu.enqueue_indirect_dma source(%arg6 : memref<128x16xf32, #tpu.memory_space<vmem>>) target(%dma_start3A_227 : memref<640x16xf32, #tpu.memory_space<vmem_shared>>) offsets(%arg7 : memref<128xi32, #tpu.memory_space<vmem>>) semaphore(%run_scoped3A : memref<!tpu.dma_semaphore, #tpu.memory_space<semaphore_mem>>) {add = true}
        %dma_wait3A_228 = arith.constant 0 : i32
        %dma_wait3A_229 = arith.constant 0 : i32
        %dma_wait3A_230 = tpu.memref_slice %arg8[%dma_wait3A_228, %dma_wait3A_229] : memref<640x16xf32, #tpu.memory_space<vmem_shared>> -> memref<640x16xf32, #tpu.memory_space<vmem_shared>>
        tpu.wait_indirect_dma semaphore(%run_scoped3A : memref<!tpu.dma_semaphore, #tpu.memory_space<semaphore_mem>>) src(%arg6 : memref<128x16xf32, #tpu.memory_space<vmem>>) dst(%dma_wait3A_230 : memref<640x16xf32, #tpu.memory_space<vmem_shared>>)
        tpu.yield
      }) : () -> ()
      %iota3A_145 = tpu.iota {dimensions = array<i32: 0>} : vector<16xi32>
      %add3A_146 = arith.constant 0 : i32
      %add3A_147 = vector.broadcast %add3A_146 : i32 to vector<16xi32>
      %add3A_148 = arith.addi %iota3A_145, %add3A_147 : vector<16xi32>
      %get3A_149 = arith.index_cast %add3A_29 : i32 to index
      %get3A_150 = arith.constant 0 : index
      %get3A_151 = tpu.vector_load %arg5[%get3A_149, %get3A_150] {strides = array<i32>} : memref<80x128xi32, #tpu.memory_space<vmem>>, vector<16xi32>,
      %and3A_152 = arith.constant 15 : i32
      %and3A_153 = vector.broadcast %and3A_152 : i32 to vector<16xi32>
      %and3A_154 = arith.andi %get3A_151, %and3A_153 : vector<16xi32>
      tpu.vector_store_idx %arg6[%add3A_148, %and3A_154], %broadcast_in_dim3A_19 : memref<128x16xf32, #tpu.memory_space<vmem>>[vector<16xi32>, vector<16xi32>], vector<16xf32>,
      %iota3A_155 = tpu.iota {dimensions = array<i32: 0>} : vector<16xi32>
      %add3A_156 = arith.constant 16 : i32
      %add3A_157 = vector.broadcast %add3A_156 : i32 to vector<16xi32>
      %add3A_158 = arith.addi %iota3A_155, %add3A_157 : vector<16xi32>
      %get3A_159 = arith.index_cast %add3A_29 : i32 to index
      %get3A_160 = arith.constant 16 : index
      %get3A_161 = tpu.vector_load %arg5[%get3A_159, %get3A_160] {strides = array<i32>} : memref<80x128xi32, #tpu.memory_space<vmem>>, vector<16xi32>,
      %and3A_162 = arith.constant 15 : i32
      %and3A_163 = vector.broadcast %and3A_162 : i32 to vector<16xi32>
      %and3A_164 = arith.andi %get3A_161, %and3A_163 : vector<16xi32>
      tpu.vector_store_idx %arg6[%add3A_158, %and3A_164], %broadcast_in_dim3A_19 : memref<128x16xf32, #tpu.memory_space<vmem>>[vector<16xi32>, vector<16xi32>], vector<16xf32>,
      %iota3A_165 = tpu.iota {dimensions = array<i32: 0>} : vector<16xi32>
      %add3A_166 = arith.constant 32 : i32
      %add3A_167 = vector.broadcast %add3A_166 : i32 to vector<16xi32>
      %add3A_168 = arith.addi %iota3A_165, %add3A_167 : vector<16xi32>
      %get3A_169 = arith.index_cast %add3A_29 : i32 to index
      %get3A_170 = arith.constant 32 : index
      %get3A_171 = tpu.vector_load %arg5[%get3A_169, %get3A_170] {strides = array<i32>} : memref<80x128xi32, #tpu.memory_space<vmem>>, vector<16xi32>,
      %and3A_172 = arith.constant 15 : i32
      %and3A_173 = vector.broadcast %and3A_172 : i32 to vector<16xi32>
      %and3A_174 = arith.andi %get3A_171, %and3A_173 : vector<16xi32>
      tpu.vector_store_idx %arg6[%add3A_168, %and3A_174], %broadcast_in_dim3A_19 : memref<128x16xf32, #tpu.memory_space<vmem>>[vector<16xi32>, vector<16xi32>], vector<16xf32>,
      %iota3A_175 = tpu.iota {dimensions = array<i32: 0>} : vector<16xi32>
      %add3A_176 = arith.constant 48 : i32
      %add3A_177 = vector.broadcast %add3A_176 : i32 to vector<16xi32>
      %add3A_178 = arith.addi %iota3A_175, %add3A_177 : vector<16xi32>
      %get3A_179 = arith.index_cast %add3A_29 : i32 to index
      %get3A_180 = arith.constant 48 : index
      %get3A_181 = tpu.vector_load %arg5[%get3A_179, %get3A_180] {strides = array<i32>} : memref<80x128xi32, #tpu.memory_space<vmem>>, vector<16xi32>,
      %and3A_182 = arith.constant 15 : i32
      %and3A_183 = vector.broadcast %and3A_182 : i32 to vector<16xi32>
      %and3A_184 = arith.andi %get3A_181, %and3A_183 : vector<16xi32>
      tpu.vector_store_idx %arg6[%add3A_178, %and3A_184], %broadcast_in_dim3A_19 : memref<128x16xf32, #tpu.memory_space<vmem>>[vector<16xi32>, vector<16xi32>], vector<16xf32>,
      %iota3A_185 = tpu.iota {dimensions = array<i32: 0>} : vector<16xi32>
      %add3A_186 = arith.constant 64 : i32
      %add3A_187 = vector.broadcast %add3A_186 : i32 to vector<16xi32>
      %add3A_188 = arith.addi %iota3A_185, %add3A_187 : vector<16xi32>
      %get3A_189 = arith.index_cast %add3A_29 : i32 to index
      %get3A_190 = arith.constant 64 : index
      %get3A_191 = tpu.vector_load %arg5[%get3A_189, %get3A_190] {strides = array<i32>} : memref<80x128xi32, #tpu.memory_space<vmem>>, vector<16xi32>,
      %and3A_192 = arith.constant 15 : i32
      %and3A_193 = vector.broadcast %and3A_192 : i32 to vector<16xi32>
      %and3A_194 = arith.andi %get3A_191, %and3A_193 : vector<16xi32>
      tpu.vector_store_idx %arg6[%add3A_188, %and3A_194], %broadcast_in_dim3A_19 : memref<128x16xf32, #tpu.memory_space<vmem>>[vector<16xi32>, vector<16xi32>], vector<16xf32>,
      %iota3A_195 = tpu.iota {dimensions = array<i32: 0>} : vector<16xi32>
      %add3A_196 = arith.constant 80 : i32
      %add3A_197 = vector.broadcast %add3A_196 : i32 to vector<16xi32>
      %add3A_198 = arith.addi %iota3A_195, %add3A_197 : vector<16xi32>
      %get3A_199 = arith.index_cast %add3A_29 : i32 to index
      %get3A_200 = arith.constant 80 : index
      %get3A_201 = tpu.vector_load %arg5[%get3A_199, %get3A_200] {strides = array<i32>} : memref<80x128xi32, #tpu.memory_space<vmem>>, vector<16xi32>,
      %and3A_202 = arith.constant 15 : i32
      %and3A_203 = vector.broadcast %and3A_202 : i32 to vector<16xi32>
      %and3A_204 = arith.andi %get3A_201, %and3A_203 : vector<16xi32>
      tpu.vector_store_idx %arg6[%add3A_198, %and3A_204], %broadcast_in_dim3A_19 : memref<128x16xf32, #tpu.memory_space<vmem>>[vector<16xi32>, vector<16xi32>], vector<16xf32>,
      %iota3A_205 = tpu.iota {dimensions = array<i32: 0>} : vector<16xi32>
      %add3A_206 = arith.constant 96 : i32
      %add3A_207 = vector.broadcast %add3A_206 : i32 to vector<16xi32>
      %add3A_208 = arith.addi %iota3A_205, %add3A_207 : vector<16xi32>
      %get3A_209 = arith.index_cast %add3A_29 : i32 to index
      %get3A_210 = arith.constant 96 : index
      %get3A_211 = tpu.vector_load %arg5[%get3A_209, %get3A_210] {strides = array<i32>} : memref<80x128xi32, #tpu.memory_space<vmem>>, vector<16xi32>,
      %and3A_212 = arith.constant 15 : i32
      %and3A_213 = vector.broadcast %and3A_212 : i32 to vector<16xi32>
      %and3A_214 = arith.andi %get3A_211, %and3A_213 : vector<16xi32>
      tpu.vector_store_idx %arg6[%add3A_208, %and3A_214], %broadcast_in_dim3A_19 : memref<128x16xf32, #tpu.memory_space<vmem>>[vector<16xi32>, vector<16xi32>], vector<16xf32>,
      %iota3A_215 = tpu.iota {dimensions = array<i32: 0>} : vector<16xi32>
      %add3A_216 = arith.constant 112 : i32
      %add3A_217 = vector.broadcast %add3A_216 : i32 to vector<16xi32>
      %add3A_218 = arith.addi %iota3A_215, %add3A_217 : vector<16xi32>
      %get3A_219 = arith.index_cast %add3A_29 : i32 to index
      %get3A_220 = arith.constant 112 : index
      %get3A_221 = tpu.vector_load %arg5[%get3A_219, %get3A_220] {strides = array<i32>} : memref<80x128xi32, #tpu.memory_space<vmem>>, vector<16xi32>,
      %and3A_222 = arith.constant 15 : i32
      %and3A_223 = vector.broadcast %and3A_222 : i32 to vector<16xi32>
      %and3A_224 = arith.andi %get3A_221, %and3A_223 : vector<16xi32>
      tpu.vector_store_idx %arg6[%add3A_218, %and3A_224], %broadcast_in_dim3A_19 : memref<128x16xf32, #tpu.memory_space<vmem>>[vector<16xi32>, vector<16xi32>], vector<16xf32>,
    }
    %scan3A_23 = arith.constant 80 : i32
    %barrier3A_24 = arith.constant 0 : index
    tpu.barrier barrier_id(%barrier3A_24)
    "tpu.region"() ({
      %run_scoped3A = tpu.sem_alloc : memref<!tpu.dma_semaphore, #tpu.memory_space<semaphore_mem>>
      %dma_start3A_25 = arith.constant 0 : i32
      %dma_start3A_26 = tpu.memref_slice %arg4[%arg0, %mul3A_2, %dma_start3A_25] : memref<2x640x16xf32, #tpu.memory_space<hbm>> -> memref<1x40x16xf32, #tpu.memory_space<hbm>>
      %dma_start3A_27 = tpu.memref_squeeze %dma_start3A_26 : memref<1x40x16xf32, #tpu.memory_space<hbm>> -> memref<40x16xf32, #tpu.memory_space<hbm>>
      %dma_start3A_28 = arith.constant 0 : i32
      %dma_start3A_29 = tpu.memref_slice %arg8[%mul3A_2, %dma_start3A_28] : memref<640x16xf32, #tpu.memory_space<vmem_shared>> -> memref<40x16xf32, #tpu.memory_space<vmem_shared>>
      tpu.enqueue_dma source(%dma_start3A_29 : memref<40x16xf32, #tpu.memory_space<vmem_shared>>) target(%dma_start3A_27 : memref<40x16xf32, #tpu.memory_space<hbm>>) target_semaphore(%run_scoped3A : memref<!tpu.dma_semaphore, #tpu.memory_space<semaphore_mem>>)
      %dma_wait3A_30 = arith.constant 0 : i32
      %dma_wait3A_31 = tpu.memref_slice %arg4[%arg0, %mul3A_2, %dma_wait3A_30] : memref<2x640x16xf32, #tpu.memory_space<hbm>> -> memref<1x40x16xf32, #tpu.memory_space<hbm>>
      %dma_wait3A_32 = tpu.memref_squeeze %dma_wait3A_31 : memref<1x40x16xf32, #tpu.memory_space<hbm>> -> memref<40x16xf32, #tpu.memory_space<hbm>>
      %dma_wait3A_33 = arith.constant 0 : i32
      %dma_wait3A_34 = tpu.memref_slice %arg8[%mul3A_2, %dma_wait3A_33] : memref<640x16xf32, #tpu.memory_space<vmem_shared>> -> memref<40x16xf32, #tpu.memory_space<vmem_shared>>
      tpu.wait_dma2 semaphore(%run_scoped3A : memref<!tpu.dma_semaphore, #tpu.memory_space<semaphore_mem>>) src(%dma_wait3A_34 : memref<40x16xf32, #tpu.memory_space<vmem_shared>>) dst(%dma_wait3A_32 : memref<40x16xf32, #tpu.memory_space<hbm>>)
      tpu.yield
    }) : () -> ()
    return
  }
}

#map = affine_map<(d0, d1) -> (0, 0)>
#map1 = affine_map<(d0, d1) -> (0, 0, 0)>
module attributes {stable_mosaic.version = 14 : i64} {
  func.func @body(%arg0: i32, %arg1: i32, %arg2: memref<10240x64xf32, #tpu.memory_space<hbm>>, %arg3: memref<32x80x128xi32, #tpu.memory_space<hbm>>, %arg4: memref<32x80x128xi32, #tpu.memory_space<hbm>>, %arg5: memref<128x64xf32, #tpu.memory_space<hbm>>, %arg6: memref<2x10240x64xf32, #tpu.memory_space<hbm>>, %arg7: memref<80x128xi32, #tpu.memory_space<vmem>>, %arg8: memref<80x128xi32, #tpu.memory_space<vmem>>, %arg9: memref<128x64xf32, #tpu.memory_space<vmem>>, %arg10: memref<128x64xf32, #tpu.memory_space<vmem>>, %arg11: memref<10240x64xf32, #tpu.memory_space<vmem_shared>>, %arg12: memref<!tpu.dma_semaphore, #tpu.memory_space<semaphore_mem>>, %arg13: memref<!tpu.dma_semaphore, #tpu.memory_space<semaphore_mem>>, %arg14: memref<!tpu.dma_semaphore, #tpu.memory_space<semaphore_mem>>) attributes {dimension_semantics = [#tpu.dimension_semantics<core_parallel>, #tpu.dimension_semantics<subcore_parallel>], iteration_bounds = array<i64: 2, 16>, scalar_prefetch = 0 : i64, scratch_operands = 8 : i64, tpu.core_type = #tpu.core_type<sc_vector_subcore>, window_params = [{transform_indices = #map}, {transform_indices = #map1}, {transform_indices = #map1}, {transform_indices = #map}, {transform_indices = #map1}]} {
    %mul3A = arith.constant 2 : i32
    %mul3A_0 = arith.muli %arg1, %mul3A : i32
    %add3A = arith.addi %mul3A_0, %arg0 : i32
    %mul3A_1 = arith.constant 640 : i32
    %mul3A_2 = arith.muli %arg1, %mul3A_1 : i32
    %dma_start3A = arith.constant 0 : i32
    %dma_start3A_3 = arith.constant 0 : i32
    %dma_start3A_4 = tpu.memref_slice %arg3[%add3A, %dma_start3A, %dma_start3A_3] : memref<32x80x128xi32, #tpu.memory_space<hbm>> -> memref<1x80x128xi32, #tpu.memory_space<hbm>>
    %dma_start3A_5 = tpu.memref_squeeze %dma_start3A_4 : memref<1x80x128xi32, #tpu.memory_space<hbm>> -> memref<80x128xi32, #tpu.memory_space<hbm>>
    %dma_start3A_6 = arith.constant 0 : i32
    %dma_start3A_7 = arith.constant 0 : i32
    %dma_start3A_8 = tpu.memref_slice %arg3[%add3A, %dma_start3A_6, %dma_start3A_7] : memref<32x80x128xi32, #tpu.memory_space<hbm>> -> memref<1x80x128xi32, #tpu.memory_space<hbm>>
    %dma_start3A_9 = tpu.memref_squeeze %dma_start3A_8 : memref<1x80x128xi32, #tpu.memory_space<hbm>> -> memref<80x128xi32, #tpu.memory_space<hbm>>
    tpu.enqueue_dma source(%dma_start3A_9 : memref<80x128xi32, #tpu.memory_space<hbm>>) target(%arg7 : memref<80x128xi32, #tpu.memory_space<vmem>>) target_semaphore(%arg12 : memref<!tpu.dma_semaphore, #tpu.memory_space<semaphore_mem>>)
    %dma_start3A_10 = arith.constant 0 : i32
    %dma_start3A_11 = arith.constant 0 : i32
    %dma_start3A_12 = tpu.memref_slice %arg4[%add3A, %dma_start3A_10, %dma_start3A_11] : memref<32x80x128xi32, #tpu.memory_space<hbm>> -> memref<1x80x128xi32, #tpu.memory_space<hbm>>
    %dma_start3A_13 = tpu.memref_squeeze %dma_start3A_12 : memref<1x80x128xi32, #tpu.memory_space<hbm>> -> memref<80x128xi32, #tpu.memory_space<hbm>>
    %dma_start3A_14 = arith.constant 0 : i32
    %dma_start3A_15 = arith.constant 0 : i32
    %dma_start3A_16 = tpu.memref_slice %arg4[%add3A, %dma_start3A_14, %dma_start3A_15] : memref<32x80x128xi32, #tpu.memory_space<hbm>> -> memref<1x80x128xi32, #tpu.memory_space<hbm>>
    %dma_start3A_17 = tpu.memref_squeeze %dma_start3A_16 : memref<1x80x128xi32, #tpu.memory_space<hbm>> -> memref<80x128xi32, #tpu.memory_space<hbm>>
    tpu.enqueue_dma source(%dma_start3A_17 : memref<80x128xi32, #tpu.memory_space<hbm>>) target(%arg8 : memref<80x128xi32, #tpu.memory_space<vmem>>) target_semaphore(%arg12 : memref<!tpu.dma_semaphore, #tpu.memory_space<semaphore_mem>>)
    "tpu.region"() ({
      %run_scoped3A = tpu.sem_alloc : memref<!tpu.dma_semaphore, #tpu.memory_space<semaphore_mem>>
      tpu.enqueue_dma source(%arg5 : memref<128x64xf32, #tpu.memory_space<hbm>>) target(%arg9 : memref<128x64xf32, #tpu.memory_space<vmem>>) target_semaphore(%run_scoped3A : memref<!tpu.dma_semaphore, #tpu.memory_space<semaphore_mem>>)
      tpu.wait_dma2 semaphore(%run_scoped3A : memref<!tpu.dma_semaphore, #tpu.memory_space<semaphore_mem>>) src(%arg5 : memref<128x64xf32, #tpu.memory_space<hbm>>) dst(%arg9 : memref<128x64xf32, #tpu.memory_space<vmem>>)
      tpu.yield
    }) : () -> ()
    %scan3A = arith.constant 0 : i32
    %scan3A_18 = arith.constant 5 : i32
    %scan3A_19 = arith.addi %scan3A, %scan3A_18 : i32
    %scan3A_20 = arith.constant 1 : i32
    scf.for %scan3A_50 = %scan3A to %scan3A_19 step %scan3A_20  : i32 {
      %mul3A_51 = arith.constant 128 : i32
      %mul3A_52 = arith.muli %scan3A_50, %mul3A_51 : i32
      %add3A_53 = arith.constant 0 : i32
      %add3A_54 = arith.addi %add3A_53, %mul3A_52 : i32
      %add3A_55 = arith.addi %mul3A_2, %add3A_54 : i32
      "tpu.region"() ({
        %run_scoped3A = tpu.sem_alloc : memref<!tpu.dma_semaphore, #tpu.memory_space<semaphore_mem>>
        %dma_start3A_56 = arith.constant 0 : i32
        %dma_start3A_57 = tpu.memref_slice %arg11[%add3A_55, %dma_start3A_56] : memref<10240x64xf32, #tpu.memory_space<vmem_shared>> -> memref<128x64xf32, #tpu.memory_space<vmem_shared>>
        %dma_start3A_58 = arith.constant 0 : i32
        %dma_start3A_59 = tpu.memref_slice %arg11[%add3A_55, %dma_start3A_58] : memref<10240x64xf32, #tpu.memory_space<vmem_shared>> -> memref<128x64xf32, #tpu.memory_space<vmem_shared>>
        tpu.enqueue_dma source(%arg9 : memref<128x64xf32, #tpu.memory_space<vmem>>) target(%dma_start3A_59 : memref<128x64xf32, #tpu.memory_space<vmem_shared>>) target_semaphore(%run_scoped3A : memref<!tpu.dma_semaphore, #tpu.memory_space<semaphore_mem>>)
        %dma_wait3A_60 = arith.constant 0 : i32
        %dma_wait3A_61 = tpu.memref_slice %arg11[%add3A_55, %dma_wait3A_60] : memref<10240x64xf32, #tpu.memory_space<vmem_shared>> -> memref<128x64xf32, #tpu.memory_space<vmem_shared>>
        %dma_wait3A_62 = arith.constant 0 : i32
        %dma_wait3A_63 = tpu.memref_slice %arg11[%add3A_55, %dma_wait3A_62] : memref<10240x64xf32, #tpu.memory_space<vmem_shared>> -> memref<128x64xf32, #tpu.memory_space<vmem_shared>>
        tpu.wait_dma2 semaphore(%run_scoped3A : memref<!tpu.dma_semaphore, #tpu.memory_space<semaphore_mem>>) src(%arg9 : memref<128x64xf32, #tpu.memory_space<vmem>>) dst(%dma_wait3A_63 : memref<128x64xf32, #tpu.memory_space<vmem_shared>>)
        tpu.yield
      }) : () -> ()
    }
    %scan3A_21 = arith.constant 5 : i32
    %dma_wait3A = arith.constant 0 : i32
    %dma_wait3A_22 = arith.constant 0 : i32
    %dma_wait3A_23 = tpu.memref_slice %arg3[%add3A, %dma_wait3A, %dma_wait3A_22] : memref<32x80x128xi32, #tpu.memory_space<hbm>> -> memref<1x80x128xi32, #tpu.memory_space<hbm>>
    %dma_wait3A_24 = tpu.memref_squeeze %dma_wait3A_23 : memref<1x80x128xi32, #tpu.memory_space<hbm>> -> memref<80x128xi32, #tpu.memory_space<hbm>>
    %dma_wait3A_25 = arith.constant 0 : i32
    %dma_wait3A_26 = arith.constant 0 : i32
    %dma_wait3A_27 = tpu.memref_slice %arg3[%add3A, %dma_wait3A_25, %dma_wait3A_26] : memref<32x80x128xi32, #tpu.memory_space<hbm>> -> memref<1x80x128xi32, #tpu.memory_space<hbm>>
    %dma_wait3A_28 = tpu.memref_squeeze %dma_wait3A_27 : memref<1x80x128xi32, #tpu.memory_space<hbm>> -> memref<80x128xi32, #tpu.memory_space<hbm>>
    tpu.wait_dma2 semaphore(%arg12 : memref<!tpu.dma_semaphore, #tpu.memory_space<semaphore_mem>>) src(%dma_wait3A_28 : memref<80x128xi32, #tpu.memory_space<hbm>>) dst(%arg7 : memref<80x128xi32, #tpu.memory_space<vmem>>)
    %dma_wait3A_29 = arith.constant 0 : i32
    %dma_wait3A_30 = arith.constant 0 : i32
    %dma_wait3A_31 = tpu.memref_slice %arg4[%add3A, %dma_wait3A_29, %dma_wait3A_30] : memref<32x80x128xi32, #tpu.memory_space<hbm>> -> memref<1x80x128xi32, #tpu.memory_space<hbm>>
    %dma_wait3A_32 = tpu.memref_squeeze %dma_wait3A_31 : memref<1x80x128xi32, #tpu.memory_space<hbm>> -> memref<80x128xi32, #tpu.memory_space<hbm>>
    %dma_wait3A_33 = arith.constant 0 : i32
    %dma_wait3A_34 = arith.constant 0 : i32
    %dma_wait3A_35 = tpu.memref_slice %arg4[%add3A, %dma_wait3A_33, %dma_wait3A_34] : memref<32x80x128xi32, #tpu.memory_space<hbm>> -> memref<1x80x128xi32, #tpu.memory_space<hbm>>
    %dma_wait3A_36 = tpu.memref_squeeze %dma_wait3A_35 : memref<1x80x128xi32, #tpu.memory_space<hbm>> -> memref<80x128xi32, #tpu.memory_space<hbm>>
    tpu.wait_dma2 semaphore(%arg12 : memref<!tpu.dma_semaphore, #tpu.memory_space<semaphore_mem>>) src(%dma_wait3A_36 : memref<80x128xi32, #tpu.memory_space<hbm>>) dst(%arg8 : memref<80x128xi32, #tpu.memory_space<vmem>>)
    %barrier3A = arith.constant 0 : index
    tpu.barrier barrier_id(%barrier3A)
    %dma_start3A_37 = arith.constant 0 : i32
    %dma_start3A_38 = arith.constant 0 : i32
    %dma_start3A_39 = tpu.memref_slice %arg7[%dma_start3A_37, %dma_start3A_38] : memref<80x128xi32, #tpu.memory_space<vmem>> -> memref<1x128xi32, #tpu.memory_space<vmem>>
    %dma_start3A_40 = tpu.memref_squeeze %dma_start3A_39 : memref<1x128xi32, #tpu.memory_space<vmem>> -> memref<128xi32, #tpu.memory_space<vmem>>
    %dma_start3A_41 = arith.constant 0 : i32
    %dma_start3A_42 = arith.constant 0 : i32
    %dma_start3A_43 = tpu.memref_slice %arg2[%dma_start3A_41, %dma_start3A_42] : memref<10240x64xf32, #tpu.memory_space<hbm>> -> memref<10240x64xf32, #tpu.memory_space<hbm>>
    tpu.enqueue_indirect_dma source(%dma_start3A_43 : memref<10240x64xf32, #tpu.memory_space<hbm>>) target(%arg9 : memref<128x64xf32, #tpu.memory_space<vmem>>) offsets(%dma_start3A_40 : memref<128xi32, #tpu.memory_space<vmem>>) semaphore(%arg13 : memref<!tpu.dma_semaphore, #tpu.memory_space<semaphore_mem>>)
    %scan3A_44 = arith.constant 0 : i32
    %scan3A_45 = arith.constant 40 : i32
    %scan3A_46 = arith.addi %scan3A_44, %scan3A_45 : i32
    %scan3A_47 = arith.constant 1 : i32
    scf.for %scan3A_50 = %scan3A_44 to %scan3A_46 step %scan3A_47  : i32 {
      %mul3A_51 = arith.constant 2 : i32
      %mul3A_52 = arith.muli %scan3A_50, %mul3A_51 : i32
      %add3A_53 = arith.constant 0 : i32
      %add3A_54 = arith.addi %add3A_53, %mul3A_52 : i32
      %dma_wait3A_55 = arith.constant 0 : i32
      %dma_wait3A_56 = tpu.memref_slice %arg7[%add3A_54, %dma_wait3A_55] : memref<80x128xi32, #tpu.memory_space<vmem>> -> memref<1x128xi32, #tpu.memory_space<vmem>>
      %dma_wait3A_57 = tpu.memref_squeeze %dma_wait3A_56 : memref<1x128xi32, #tpu.memory_space<vmem>> -> memref<128xi32, #tpu.memory_space<vmem>>
      %dma_wait3A_58 = arith.constant 0 : i32
      %dma_wait3A_59 = arith.constant 0 : i32
      %dma_wait3A_60 = tpu.memref_slice %arg2[%dma_wait3A_58, %dma_wait3A_59] : memref<10240x64xf32, #tpu.memory_space<hbm>> -> memref<10240x64xf32, #tpu.memory_space<hbm>>
      tpu.wait_indirect_dma semaphore(%arg13 : memref<!tpu.dma_semaphore, #tpu.memory_space<semaphore_mem>>) src(%dma_wait3A_60 : memref<10240x64xf32, #tpu.memory_space<hbm>>) dst(%arg9 : memref<128x64xf32, #tpu.memory_space<vmem>>)
      %add3A_61 = arith.constant 1 : i32
      %add3A_62 = arith.addi %add3A_54, %add3A_61 : i32
      %dma_start3A_63 = arith.constant 0 : i32
      %dma_start3A_64 = tpu.memref_slice %arg7[%add3A_62, %dma_start3A_63] : memref<80x128xi32, #tpu.memory_space<vmem>> -> memref<1x128xi32, #tpu.memory_space<vmem>>
      %dma_start3A_65 = tpu.memref_squeeze %dma_start3A_64 : memref<1x128xi32, #tpu.memory_space<vmem>> -> memref<128xi32, #tpu.memory_space<vmem>>
      %dma_start3A_66 = arith.constant 0 : i32
      %dma_start3A_67 = arith.constant 0 : i32
      %dma_start3A_68 = tpu.memref_slice %arg2[%dma_start3A_66, %dma_start3A_67] : memref<10240x64xf32, #tpu.memory_space<hbm>> -> memref<10240x64xf32, #tpu.memory_space<hbm>>
      tpu.enqueue_indirect_dma source(%dma_start3A_68 : memref<10240x64xf32, #tpu.memory_space<hbm>>) target(%arg10 : memref<128x64xf32, #tpu.memory_space<vmem>>) offsets(%dma_start3A_65 : memref<128xi32, #tpu.memory_space<vmem>>) semaphore(%arg14 : memref<!tpu.dma_semaphore, #tpu.memory_space<semaphore_mem>>)
      "tpu.region"() ({
        %run_scoped3A = tpu.sem_alloc : memref<!tpu.dma_semaphore, #tpu.memory_space<semaphore_mem>>
        %dma_start3A_83 = arith.constant 0 : i32
        %dma_start3A_84 = tpu.memref_slice %arg8[%add3A_54, %dma_start3A_83] : memref<80x128xi32, #tpu.memory_space<vmem>> -> memref<1x128xi32, #tpu.memory_space<vmem>>
        %dma_start3A_85 = tpu.memref_squeeze %dma_start3A_84 : memref<1x128xi32, #tpu.memory_space<vmem>> -> memref<128xi32, #tpu.memory_space<vmem>>
        %dma_start3A_86 = arith.constant 0 : i32
        %dma_start3A_87 = arith.constant 0 : i32
        %dma_start3A_88 = tpu.memref_slice %arg11[%dma_start3A_86, %dma_start3A_87] : memref<10240x64xf32, #tpu.memory_space<vmem_shared>> -> memref<10240x64xf32, #tpu.memory_space<vmem_shared>>
        tpu.enqueue_indirect_dma source(%arg9 : memref<128x64xf32, #tpu.memory_space<vmem>>) target(%dma_start3A_88 : memref<10240x64xf32, #tpu.memory_space<vmem_shared>>) offsets(%dma_start3A_85 : memref<128xi32, #tpu.memory_space<vmem>>) semaphore(%run_scoped3A : memref<!tpu.dma_semaphore, #tpu.memory_space<semaphore_mem>>) {add = true}
        %dma_wait3A_89 = arith.constant 0 : i32
        %dma_wait3A_90 = tpu.memref_slice %arg8[%add3A_54, %dma_wait3A_89] : memref<80x128xi32, #tpu.memory_space<vmem>> -> memref<1x128xi32, #tpu.memory_space<vmem>>
        %dma_wait3A_91 = tpu.memref_squeeze %dma_wait3A_90 : memref<1x128xi32, #tpu.memory_space<vmem>> -> memref<128xi32, #tpu.memory_space<vmem>>
        %dma_wait3A_92 = arith.constant 0 : i32
        %dma_wait3A_93 = arith.constant 0 : i32
        %dma_wait3A_94 = tpu.memref_slice %arg11[%dma_wait3A_92, %dma_wait3A_93] : memref<10240x64xf32, #tpu.memory_space<vmem_shared>> -> memref<10240x64xf32, #tpu.memory_space<vmem_shared>>
        tpu.wait_indirect_dma semaphore(%run_scoped3A : memref<!tpu.dma_semaphore, #tpu.memory_space<semaphore_mem>>) src(%arg9 : memref<128x64xf32, #tpu.memory_space<vmem>>) dst(%dma_wait3A_94 : memref<10240x64xf32, #tpu.memory_space<vmem_shared>>)
        tpu.yield
      }) : () -> ()
      %add3A_69 = arith.constant 1 : i32
      %add3A_70 = arith.addi %add3A_54, %add3A_69 : i32
      %dma_wait3A_71 = arith.constant 0 : i32
      %dma_wait3A_72 = tpu.memref_slice %arg7[%add3A_70, %dma_wait3A_71] : memref<80x128xi32, #tpu.memory_space<vmem>> -> memref<1x128xi32, #tpu.memory_space<vmem>>
      %dma_wait3A_73 = tpu.memref_squeeze %dma_wait3A_72 : memref<1x128xi32, #tpu.memory_space<vmem>> -> memref<128xi32, #tpu.memory_space<vmem>>
      %dma_wait3A_74 = arith.constant 0 : i32
      %dma_wait3A_75 = arith.constant 0 : i32
      %dma_wait3A_76 = tpu.memref_slice %arg2[%dma_wait3A_74, %dma_wait3A_75] : memref<10240x64xf32, #tpu.memory_space<hbm>> -> memref<10240x64xf32, #tpu.memory_space<hbm>>
      tpu.wait_indirect_dma semaphore(%arg14 : memref<!tpu.dma_semaphore, #tpu.memory_space<semaphore_mem>>) src(%dma_wait3A_76 : memref<10240x64xf32, #tpu.memory_space<hbm>>) dst(%arg10 : memref<128x64xf32, #tpu.memory_space<vmem>>)
      %add3A_77 = arith.constant 2 : i32
      %add3A_78 = arith.addi %add3A_54, %add3A_77 : i32
      %lt3A = arith.constant 80 : i32
      %lt3A_79 = arith.cmpi slt, %add3A_78, %lt3A : i32
      %convert_element_type3A = arith.extui %lt3A_79 : i1 to i32
      %cond3A = arith.constant 0 : i32
      %cond3A_80 = arith.cmpi ne, %convert_element_type3A, %cond3A : i32
      scf.if %cond3A_80 {
        %add3A_83 = arith.constant 2 : i32
        %add3A_84 = arith.addi %add3A_54, %add3A_83 : i32
        %dma_start3A_85 = arith.constant 0 : i32
        %dma_start3A_86 = tpu.memref_slice %arg7[%add3A_84, %dma_start3A_85] : memref<80x128xi32, #tpu.memory_space<vmem>> -> memref<1x128xi32, #tpu.memory_space<vmem>>
        %dma_start3A_87 = tpu.memref_squeeze %dma_start3A_86 : memref<1x128xi32, #tpu.memory_space<vmem>> -> memref<128xi32, #tpu.memory_space<vmem>>
        %dma_start3A_88 = arith.constant 0 : i32
        %dma_start3A_89 = arith.constant 0 : i32
        %dma_start3A_90 = tpu.memref_slice %arg2[%dma_start3A_88, %dma_start3A_89] : memref<10240x64xf32, #tpu.memory_space<hbm>> -> memref<10240x64xf32, #tpu.memory_space<hbm>>
        tpu.enqueue_indirect_dma source(%dma_start3A_90 : memref<10240x64xf32, #tpu.memory_space<hbm>>) target(%arg9 : memref<128x64xf32, #tpu.memory_space<vmem>>) offsets(%dma_start3A_87 : memref<128xi32, #tpu.memory_space<vmem>>) semaphore(%arg13 : memref<!tpu.dma_semaphore, #tpu.memory_space<semaphore_mem>>)
      } else {
      }
      %add3A_81 = arith.constant 1 : i32
      %add3A_82 = arith.addi %add3A_54, %add3A_81 : i32
      "tpu.region"() ({
        %run_scoped3A = tpu.sem_alloc : memref<!tpu.dma_semaphore, #tpu.memory_space<semaphore_mem>>
        %dma_start3A_83 = arith.constant 0 : i32
        %dma_start3A_84 = tpu.memref_slice %arg8[%add3A_82, %dma_start3A_83] : memref<80x128xi32, #tpu.memory_space<vmem>> -> memref<1x128xi32, #tpu.memory_space<vmem>>
        %dma_start3A_85 = tpu.memref_squeeze %dma_start3A_84 : memref<1x128xi32, #tpu.memory_space<vmem>> -> memref<128xi32, #tpu.memory_space<vmem>>
        %dma_start3A_86 = arith.constant 0 : i32
        %dma_start3A_87 = arith.constant 0 : i32
        %dma_start3A_88 = tpu.memref_slice %arg11[%dma_start3A_86, %dma_start3A_87] : memref<10240x64xf32, #tpu.memory_space<vmem_shared>> -> memref<10240x64xf32, #tpu.memory_space<vmem_shared>>
        tpu.enqueue_indirect_dma source(%arg10 : memref<128x64xf32, #tpu.memory_space<vmem>>) target(%dma_start3A_88 : memref<10240x64xf32, #tpu.memory_space<vmem_shared>>) offsets(%dma_start3A_85 : memref<128xi32, #tpu.memory_space<vmem>>) semaphore(%run_scoped3A : memref<!tpu.dma_semaphore, #tpu.memory_space<semaphore_mem>>) {add = true}
        %dma_wait3A_89 = arith.constant 0 : i32
        %dma_wait3A_90 = tpu.memref_slice %arg8[%add3A_82, %dma_wait3A_89] : memref<80x128xi32, #tpu.memory_space<vmem>> -> memref<1x128xi32, #tpu.memory_space<vmem>>
        %dma_wait3A_91 = tpu.memref_squeeze %dma_wait3A_90 : memref<1x128xi32, #tpu.memory_space<vmem>> -> memref<128xi32, #tpu.memory_space<vmem>>
        %dma_wait3A_92 = arith.constant 0 : i32
        %dma_wait3A_93 = arith.constant 0 : i32
        %dma_wait3A_94 = tpu.memref_slice %arg11[%dma_wait3A_92, %dma_wait3A_93] : memref<10240x64xf32, #tpu.memory_space<vmem_shared>> -> memref<10240x64xf32, #tpu.memory_space<vmem_shared>>
        tpu.wait_indirect_dma semaphore(%run_scoped3A : memref<!tpu.dma_semaphore, #tpu.memory_space<semaphore_mem>>) src(%arg10 : memref<128x64xf32, #tpu.memory_space<vmem>>) dst(%dma_wait3A_94 : memref<10240x64xf32, #tpu.memory_space<vmem_shared>>)
        tpu.yield
      }) : () -> ()
    }
    %scan3A_48 = arith.constant 40 : i32
    %barrier3A_49 = arith.constant 0 : index
    tpu.barrier barrier_id(%barrier3A_49)
    "tpu.region"() ({
      %run_scoped3A = tpu.sem_alloc : memref<!tpu.dma_semaphore, #tpu.memory_space<semaphore_mem>>
      %dma_start3A_50 = arith.constant 0 : i32
      %dma_start3A_51 = tpu.memref_slice %arg6[%arg0, %mul3A_2, %dma_start3A_50] : memref<2x10240x64xf32, #tpu.memory_space<hbm>> -> memref<1x640x64xf32, #tpu.memory_space<hbm>>
      %dma_start3A_52 = tpu.memref_squeeze %dma_start3A_51 : memref<1x640x64xf32, #tpu.memory_space<hbm>> -> memref<640x64xf32, #tpu.memory_space<hbm>>
      %dma_start3A_53 = arith.constant 0 : i32
      %dma_start3A_54 = tpu.memref_slice %arg11[%mul3A_2, %dma_start3A_53] : memref<10240x64xf32, #tpu.memory_space<vmem_shared>> -> memref<640x64xf32, #tpu.memory_space<vmem_shared>>
      tpu.enqueue_dma source(%dma_start3A_54 : memref<640x64xf32, #tpu.memory_space<vmem_shared>>) target(%dma_start3A_52 : memref<640x64xf32, #tpu.memory_space<hbm>>) target_semaphore(%run_scoped3A : memref<!tpu.dma_semaphore, #tpu.memory_space<semaphore_mem>>)
      %dma_wait3A_55 = arith.constant 0 : i32
      %dma_wait3A_56 = tpu.memref_slice %arg6[%arg0, %mul3A_2, %dma_wait3A_55] : memref<2x10240x64xf32, #tpu.memory_space<hbm>> -> memref<1x640x64xf32, #tpu.memory_space<hbm>>
      %dma_wait3A_57 = tpu.memref_squeeze %dma_wait3A_56 : memref<1x640x64xf32, #tpu.memory_space<hbm>> -> memref<640x64xf32, #tpu.memory_space<hbm>>
      %dma_wait3A_58 = arith.constant 0 : i32
      %dma_wait3A_59 = tpu.memref_slice %arg11[%mul3A_2, %dma_wait3A_58] : memref<10240x64xf32, #tpu.memory_space<vmem_shared>> -> memref<640x64xf32, #tpu.memory_space<vmem_shared>>
      tpu.wait_dma2 semaphore(%run_scoped3A : memref<!tpu.dma_semaphore, #tpu.memory_space<semaphore_mem>>) src(%dma_wait3A_59 : memref<640x64xf32, #tpu.memory_space<vmem_shared>>) dst(%dma_wait3A_57 : memref<640x64xf32, #tpu.memory_space<hbm>>)
      tpu.yield
    }) : () -> ()
    return
  }
}

#map = affine_map<(d0, d1) -> (0, 0)>
#map1 = affine_map<(d0, d1) -> (0, 0, 0)>
module attributes {stable_mosaic.version = 14 : i64} {
  func.func @body(%arg0: i32, %arg1: i32, %arg2: memref<10240x64xf32, #tpu.memory_space<hbm>>, %arg3: memref<10240x64xf32, #tpu.memory_space<hbm>>, %arg4: memref<16x160x128xi32, #tpu.memory_space<hbm>>, %arg5: memref<16x160x128xi32, #tpu.memory_space<hbm>>, %arg6: memref<128x64xf32, #tpu.memory_space<hbm>>, %arg7: memref<2x10240x64xf32, #tpu.memory_space<hbm>>, %arg8: memref<160x128xi32, #tpu.memory_space<vmem>>, %arg9: memref<160x128xi32, #tpu.memory_space<vmem>>, %arg10: memref<128x64xf32, #tpu.memory_space<vmem>>, %arg11: memref<128x64xf32, #tpu.memory_space<vmem>>, %arg12: memref<10240x64xf32, #tpu.memory_space<vmem_shared>>, %arg13: memref<!tpu.dma_semaphore, #tpu.memory_space<semaphore_mem>>, %arg14: memref<!tpu.dma_semaphore, #tpu.memory_space<semaphore_mem>>, %arg15: memref<!tpu.dma_semaphore, #tpu.memory_space<semaphore_mem>>) attributes {dimension_semantics = [#tpu.dimension_semantics<core_parallel>, #tpu.dimension_semantics<subcore_parallel>], iteration_bounds = array<i64: 2, 16>, scalar_prefetch = 0 : i64, scratch_operands = 8 : i64, tpu.core_type = #tpu.core_type<sc_vector_subcore>, window_params = [{transform_indices = #map}, {transform_indices = #map}, {transform_indices = #map1}, {transform_indices = #map1}, {transform_indices = #map}, {transform_indices = #map1}]} {
    %mul3A = arith.constant 640 : i32
    %mul3A_0 = arith.muli %arg1, %mul3A : i32
    %dma_start3A = arith.constant 0 : i32
    %dma_start3A_1 = arith.constant 0 : i32
    %dma_start3A_2 = tpu.memref_slice %arg4[%arg1, %dma_start3A, %dma_start3A_1] : memref<16x160x128xi32, #tpu.memory_space<hbm>> -> memref<1x160x128xi32, #tpu.memory_space<hbm>>
    %dma_start3A_3 = tpu.memref_squeeze %dma_start3A_2 : memref<1x160x128xi32, #tpu.memory_space<hbm>> -> memref<160x128xi32, #tpu.memory_space<hbm>>
    %dma_start3A_4 = arith.constant 0 : i32
    %dma_start3A_5 = arith.constant 0 : i32
    %dma_start3A_6 = tpu.memref_slice %arg4[%arg1, %dma_start3A_4, %dma_start3A_5] : memref<16x160x128xi32, #tpu.memory_space<hbm>> -> memref<1x160x128xi32, #tpu.memory_space<hbm>>
    %dma_start3A_7 = tpu.memref_squeeze %dma_start3A_6 : memref<1x160x128xi32, #tpu.memory_space<hbm>> -> memref<160x128xi32, #tpu.memory_space<hbm>>
    tpu.enqueue_dma source(%dma_start3A_7 : memref<160x128xi32, #tpu.memory_space<hbm>>) target(%arg8 : memref<160x128xi32, #tpu.memory_space<vmem>>) target_semaphore(%arg13 : memref<!tpu.dma_semaphore, #tpu.memory_space<semaphore_mem>>)
    %dma_start3A_8 = arith.constant 0 : i32
    %dma_start3A_9 = arith.constant 0 : i32
    %dma_start3A_10 = tpu.memref_slice %arg5[%arg1, %dma_start3A_8, %dma_start3A_9] : memref<16x160x128xi32, #tpu.memory_space<hbm>> -> memref<1x160x128xi32, #tpu.memory_space<hbm>>
    %dma_start3A_11 = tpu.memref_squeeze %dma_start3A_10 : memref<1x160x128xi32, #tpu.memory_space<hbm>> -> memref<160x128xi32, #tpu.memory_space<hbm>>
    %dma_start3A_12 = arith.constant 0 : i32
    %dma_start3A_13 = arith.constant 0 : i32
    %dma_start3A_14 = tpu.memref_slice %arg5[%arg1, %dma_start3A_12, %dma_start3A_13] : memref<16x160x128xi32, #tpu.memory_space<hbm>> -> memref<1x160x128xi32, #tpu.memory_space<hbm>>
    %dma_start3A_15 = tpu.memref_squeeze %dma_start3A_14 : memref<1x160x128xi32, #tpu.memory_space<hbm>> -> memref<160x128xi32, #tpu.memory_space<hbm>>
    tpu.enqueue_dma source(%dma_start3A_15 : memref<160x128xi32, #tpu.memory_space<hbm>>) target(%arg9 : memref<160x128xi32, #tpu.memory_space<vmem>>) target_semaphore(%arg13 : memref<!tpu.dma_semaphore, #tpu.memory_space<semaphore_mem>>)
    "tpu.region"() ({
      %run_scoped3A = tpu.sem_alloc : memref<!tpu.dma_semaphore, #tpu.memory_space<semaphore_mem>>
      tpu.enqueue_dma source(%arg6 : memref<128x64xf32, #tpu.memory_space<hbm>>) target(%arg10 : memref<128x64xf32, #tpu.memory_space<vmem>>) target_semaphore(%run_scoped3A : memref<!tpu.dma_semaphore, #tpu.memory_space<semaphore_mem>>)
      tpu.wait_dma2 semaphore(%run_scoped3A : memref<!tpu.dma_semaphore, #tpu.memory_space<semaphore_mem>>) src(%arg6 : memref<128x64xf32, #tpu.memory_space<hbm>>) dst(%arg10 : memref<128x64xf32, #tpu.memory_space<vmem>>)
      tpu.yield
    }) : () -> ()
    %scan3A = arith.constant 0 : i32
    %scan3A_16 = arith.constant 5 : i32
    %scan3A_17 = arith.addi %scan3A, %scan3A_16 : i32
    %scan3A_18 = arith.constant 1 : i32
    scf.for %scan3A_43 = %scan3A to %scan3A_17 step %scan3A_18  : i32 {
      %mul3A_44 = arith.constant 128 : i32
      %mul3A_45 = arith.muli %scan3A_43, %mul3A_44 : i32
      %add3A = arith.constant 0 : i32
      %add3A_46 = arith.addi %add3A, %mul3A_45 : i32
      %add3A_47 = arith.addi %mul3A_0, %add3A_46 : i32
      "tpu.region"() ({
        %run_scoped3A = tpu.sem_alloc : memref<!tpu.dma_semaphore, #tpu.memory_space<semaphore_mem>>
        %dma_start3A_48 = arith.constant 0 : i32
        %dma_start3A_49 = tpu.memref_slice %arg12[%add3A_47, %dma_start3A_48] : memref<10240x64xf32, #tpu.memory_space<vmem_shared>> -> memref<128x64xf32, #tpu.memory_space<vmem_shared>>
        %dma_start3A_50 = arith.constant 0 : i32
        %dma_start3A_51 = tpu.memref_slice %arg12[%add3A_47, %dma_start3A_50] : memref<10240x64xf32, #tpu.memory_space<vmem_shared>> -> memref<128x64xf32, #tpu.memory_space<vmem_shared>>
        tpu.enqueue_dma source(%arg10 : memref<128x64xf32, #tpu.memory_space<vmem>>) target(%dma_start3A_51 : memref<128x64xf32, #tpu.memory_space<vmem_shared>>) target_semaphore(%run_scoped3A : memref<!tpu.dma_semaphore, #tpu.memory_space<semaphore_mem>>)
        %dma_wait3A_52 = arith.constant 0 : i32
        %dma_wait3A_53 = tpu.memref_slice %arg12[%add3A_47, %dma_wait3A_52] : memref<10240x64xf32, #tpu.memory_space<vmem_shared>> -> memref<128x64xf32, #tpu.memory_space<vmem_shared>>
        %dma_wait3A_54 = arith.constant 0 : i32
        %dma_wait3A_55 = tpu.memref_slice %arg12[%add3A_47, %dma_wait3A_54] : memref<10240x64xf32, #tpu.memory_space<vmem_shared>> -> memref<128x64xf32, #tpu.memory_space<vmem_shared>>
        tpu.wait_dma2 semaphore(%run_scoped3A : memref<!tpu.dma_semaphore, #tpu.memory_space<semaphore_mem>>) src(%arg10 : memref<128x64xf32, #tpu.memory_space<vmem>>) dst(%dma_wait3A_55 : memref<128x64xf32, #tpu.memory_space<vmem_shared>>)
        tpu.yield
      }) : () -> ()
    }
    %scan3A_19 = arith.constant 5 : i32
    %dma_wait3A = arith.constant 0 : i32
    %dma_wait3A_20 = arith.constant 0 : i32
    %dma_wait3A_21 = tpu.memref_slice %arg4[%arg1, %dma_wait3A, %dma_wait3A_20] : memref<16x160x128xi32, #tpu.memory_space<hbm>> -> memref<1x160x128xi32, #tpu.memory_space<hbm>>
    %dma_wait3A_22 = tpu.memref_squeeze %dma_wait3A_21 : memref<1x160x128xi32, #tpu.memory_space<hbm>> -> memref<160x128xi32, #tpu.memory_space<hbm>>
    %dma_wait3A_23 = arith.constant 0 : i32
    %dma_wait3A_24 = arith.constant 0 : i32
    %dma_wait3A_25 = tpu.memref_slice %arg4[%arg1, %dma_wait3A_23, %dma_wait3A_24] : memref<16x160x128xi32, #tpu.memory_space<hbm>> -> memref<1x160x128xi32, #tpu.memory_space<hbm>>
    %dma_wait3A_26 = tpu.memref_squeeze %dma_wait3A_25 : memref<1x160x128xi32, #tpu.memory_space<hbm>> -> memref<160x128xi32, #tpu.memory_space<hbm>>
    tpu.wait_dma2 semaphore(%arg13 : memref<!tpu.dma_semaphore, #tpu.memory_space<semaphore_mem>>) src(%dma_wait3A_26 : memref<160x128xi32, #tpu.memory_space<hbm>>) dst(%arg8 : memref<160x128xi32, #tpu.memory_space<vmem>>)
    %dma_wait3A_27 = arith.constant 0 : i32
    %dma_wait3A_28 = arith.constant 0 : i32
    %dma_wait3A_29 = tpu.memref_slice %arg5[%arg1, %dma_wait3A_27, %dma_wait3A_28] : memref<16x160x128xi32, #tpu.memory_space<hbm>> -> memref<1x160x128xi32, #tpu.memory_space<hbm>>
    %dma_wait3A_30 = tpu.memref_squeeze %dma_wait3A_29 : memref<1x160x128xi32, #tpu.memory_space<hbm>> -> memref<160x128xi32, #tpu.memory_space<hbm>>
    %dma_wait3A_31 = arith.constant 0 : i32
    %dma_wait3A_32 = arith.constant 0 : i32
    %dma_wait3A_33 = tpu.memref_slice %arg5[%arg1, %dma_wait3A_31, %dma_wait3A_32] : memref<16x160x128xi32, #tpu.memory_space<hbm>> -> memref<1x160x128xi32, #tpu.memory_space<hbm>>
    %dma_wait3A_34 = tpu.memref_squeeze %dma_wait3A_33 : memref<1x160x128xi32, #tpu.memory_space<hbm>> -> memref<160x128xi32, #tpu.memory_space<hbm>>
    tpu.wait_dma2 semaphore(%arg13 : memref<!tpu.dma_semaphore, #tpu.memory_space<semaphore_mem>>) src(%dma_wait3A_34 : memref<160x128xi32, #tpu.memory_space<hbm>>) dst(%arg9 : memref<160x128xi32, #tpu.memory_space<vmem>>)
    %barrier3A = arith.constant 0 : index
    tpu.barrier barrier_id(%barrier3A)
    %eq3A = arith.constant 0 : i32
    %eq3A_35 = arith.cmpi eq, %arg0, %eq3A : i32
    %convert_element_type3A = arith.extui %eq3A_35 : i1 to i32
    %cond3A = arith.constant 0 : i32
    %cond3A_36 = arith.cmpi ne, %convert_element_type3A, %cond3A : i32
    scf.if %cond3A_36 {
      %dma_start3A_43 = arith.constant 0 : i32
      %dma_start3A_44 = arith.constant 0 : i32
      %dma_start3A_45 = tpu.memref_slice %arg8[%dma_start3A_43, %dma_start3A_44] : memref<160x128xi32, #tpu.memory_space<vmem>> -> memref<1x128xi32, #tpu.memory_space<vmem>>
      %dma_start3A_46 = tpu.memref_squeeze %dma_start3A_45 : memref<1x128xi32, #tpu.memory_space<vmem>> -> memref<128xi32, #tpu.memory_space<vmem>>
      %dma_start3A_47 = arith.constant 0 : i32
      %dma_start3A_48 = arith.constant 0 : i32
      %dma_start3A_49 = tpu.memref_slice %arg2[%dma_start3A_47, %dma_start3A_48] : memref<10240x64xf32, #tpu.memory_space<hbm>> -> memref<10240x64xf32, #tpu.memory_space<hbm>>
      tpu.enqueue_indirect_dma source(%dma_start3A_49 : memref<10240x64xf32, #tpu.memory_space<hbm>>) target(%arg10 : memref<128x64xf32, #tpu.memory_space<vmem>>) offsets(%dma_start3A_46 : memref<128xi32, #tpu.memory_space<vmem>>) semaphore(%arg14 : memref<!tpu.dma_semaphore, #tpu.memory_space<semaphore_mem>>)
      %scan3A_50 = arith.constant 0 : i32
      %scan3A_51 = arith.constant 80 : i32
      %scan3A_52 = arith.addi %scan3A_50, %scan3A_51 : i32
      %scan3A_53 = arith.constant 1 : i32
      scf.for %scan3A_55 = %scan3A_50 to %scan3A_52 step %scan3A_53  : i32 {
        %mul3A_56 = arith.constant 2 : i32
        %mul3A_57 = arith.muli %scan3A_55, %mul3A_56 : i32
        %add3A = arith.constant 0 : i32
        %add3A_58 = arith.addi %add3A, %mul3A_57 : i32
        %dma_wait3A_59 = arith.constant 0 : i32
        %dma_wait3A_60 = tpu.memref_slice %arg8[%add3A_58, %dma_wait3A_59] : memref<160x128xi32, #tpu.memory_space<vmem>> -> memref<1x128xi32, #tpu.memory_space<vmem>>
        %dma_wait3A_61 = tpu.memref_squeeze %dma_wait3A_60 : memref<1x128xi32, #tpu.memory_space<vmem>> -> memref<128xi32, #tpu.memory_space<vmem>>
        %dma_wait3A_62 = arith.constant 0 : i32
        %dma_wait3A_63 = arith.constant 0 : i32
        %dma_wait3A_64 = tpu.memref_slice %arg2[%dma_wait3A_62, %dma_wait3A_63] : memref<10240x64xf32, #tpu.memory_space<hbm>> -> memref<10240x64xf32, #tpu.memory_space<hbm>>
        tpu.wait_indirect_dma semaphore(%arg14 : memref<!tpu.dma_semaphore, #tpu.memory_space<semaphore_mem>>) src(%dma_wait3A_64 : memref<10240x64xf32, #tpu.memory_space<hbm>>) dst(%arg10 : memref<128x64xf32, #tpu.memory_space<vmem>>)
        %add3A_65 = arith.constant 1 : i32
        %add3A_66 = arith.addi %add3A_58, %add3A_65 : i32
        %dma_start3A_67 = arith.constant 0 : i32
        %dma_start3A_68 = tpu.memref_slice %arg8[%add3A_66, %dma_start3A_67] : memref<160x128xi32, #tpu.memory_space<vmem>> -> memref<1x128xi32, #tpu.memory_space<vmem>>
        %dma_start3A_69 = tpu.memref_squeeze %dma_start3A_68 : memref<1x128xi32, #tpu.memory_space<vmem>> -> memref<128xi32, #tpu.memory_space<vmem>>
        %dma_start3A_70 = arith.constant 0 : i32
        %dma_start3A_71 = arith.constant 0 : i32
        %dma_start3A_72 = tpu.memref_slice %arg2[%dma_start3A_70, %dma_start3A_71] : memref<10240x64xf32, #tpu.memory_space<hbm>> -> memref<10240x64xf32, #tpu.memory_space<hbm>>
        tpu.enqueue_indirect_dma source(%dma_start3A_72 : memref<10240x64xf32, #tpu.memory_space<hbm>>) target(%arg11 : memref<128x64xf32, #tpu.memory_space<vmem>>) offsets(%dma_start3A_69 : memref<128xi32, #tpu.memory_space<vmem>>) semaphore(%arg15 : memref<!tpu.dma_semaphore, #tpu.memory_space<semaphore_mem>>)
        "tpu.region"() ({
          %run_scoped3A = tpu.sem_alloc : memref<!tpu.dma_semaphore, #tpu.memory_space<semaphore_mem>>
          %dma_start3A_89 = arith.constant 0 : i32
          %dma_start3A_90 = tpu.memref_slice %arg9[%add3A_58, %dma_start3A_89] : memref<160x128xi32, #tpu.memory_space<vmem>> -> memref<1x128xi32, #tpu.memory_space<vmem>>
          %dma_start3A_91 = tpu.memref_squeeze %dma_start3A_90 : memref<1x128xi32, #tpu.memory_space<vmem>> -> memref<128xi32, #tpu.memory_space<vmem>>
          %dma_start3A_92 = arith.constant 0 : i32
          %dma_start3A_93 = arith.constant 0 : i32
          %dma_start3A_94 = tpu.memref_slice %arg12[%dma_start3A_92, %dma_start3A_93] : memref<10240x64xf32, #tpu.memory_space<vmem_shared>> -> memref<10240x64xf32, #tpu.memory_space<vmem_shared>>
          tpu.enqueue_indirect_dma source(%arg10 : memref<128x64xf32, #tpu.memory_space<vmem>>) target(%dma_start3A_94 : memref<10240x64xf32, #tpu.memory_space<vmem_shared>>) offsets(%dma_start3A_91 : memref<128xi32, #tpu.memory_space<vmem>>) semaphore(%run_scoped3A : memref<!tpu.dma_semaphore, #tpu.memory_space<semaphore_mem>>) {add = true}
          %dma_wait3A_95 = arith.constant 0 : i32
          %dma_wait3A_96 = tpu.memref_slice %arg9[%add3A_58, %dma_wait3A_95] : memref<160x128xi32, #tpu.memory_space<vmem>> -> memref<1x128xi32, #tpu.memory_space<vmem>>
          %dma_wait3A_97 = tpu.memref_squeeze %dma_wait3A_96 : memref<1x128xi32, #tpu.memory_space<vmem>> -> memref<128xi32, #tpu.memory_space<vmem>>
          %dma_wait3A_98 = arith.constant 0 : i32
          %dma_wait3A_99 = arith.constant 0 : i32
          %dma_wait3A_100 = tpu.memref_slice %arg12[%dma_wait3A_98, %dma_wait3A_99] : memref<10240x64xf32, #tpu.memory_space<vmem_shared>> -> memref<10240x64xf32, #tpu.memory_space<vmem_shared>>
          tpu.wait_indirect_dma semaphore(%run_scoped3A : memref<!tpu.dma_semaphore, #tpu.memory_space<semaphore_mem>>) src(%arg10 : memref<128x64xf32, #tpu.memory_space<vmem>>) dst(%dma_wait3A_100 : memref<10240x64xf32, #tpu.memory_space<vmem_shared>>)
          tpu.yield
        }) : () -> ()
        %add3A_73 = arith.constant 1 : i32
        %add3A_74 = arith.addi %add3A_58, %add3A_73 : i32
        %dma_wait3A_75 = arith.constant 0 : i32
        %dma_wait3A_76 = tpu.memref_slice %arg8[%add3A_74, %dma_wait3A_75] : memref<160x128xi32, #tpu.memory_space<vmem>> -> memref<1x128xi32, #tpu.memory_space<vmem>>
        %dma_wait3A_77 = tpu.memref_squeeze %dma_wait3A_76 : memref<1x128xi32, #tpu.memory_space<vmem>> -> memref<128xi32, #tpu.memory_space<vmem>>
        %dma_wait3A_78 = arith.constant 0 : i32
        %dma_wait3A_79 = arith.constant 0 : i32
        %dma_wait3A_80 = tpu.memref_slice %arg2[%dma_wait3A_78, %dma_wait3A_79] : memref<10240x64xf32, #tpu.memory_space<hbm>> -> memref<10240x64xf32, #tpu.memory_space<hbm>>
        tpu.wait_indirect_dma semaphore(%arg15 : memref<!tpu.dma_semaphore, #tpu.memory_space<semaphore_mem>>) src(%dma_wait3A_80 : memref<10240x64xf32, #tpu.memory_space<hbm>>) dst(%arg11 : memref<128x64xf32, #tpu.memory_space<vmem>>)
        %add3A_81 = arith.constant 2 : i32
        %add3A_82 = arith.addi %add3A_58, %add3A_81 : i32
        %lt3A = arith.constant 160 : i32
        %lt3A_83 = arith.cmpi slt, %add3A_82, %lt3A : i32
        %convert_element_type3A_84 = arith.extui %lt3A_83 : i1 to i32
        %cond3A_85 = arith.constant 0 : i32
        %cond3A_86 = arith.cmpi ne, %convert_element_type3A_84, %cond3A_85 : i32
        scf.if %cond3A_86 {
          %add3A_89 = arith.constant 2 : i32
          %add3A_90 = arith.addi %add3A_58, %add3A_89 : i32
          %dma_start3A_91 = arith.constant 0 : i32
          %dma_start3A_92 = tpu.memref_slice %arg8[%add3A_90, %dma_start3A_91] : memref<160x128xi32, #tpu.memory_space<vmem>> -> memref<1x128xi32, #tpu.memory_space<vmem>>
          %dma_start3A_93 = tpu.memref_squeeze %dma_start3A_92 : memref<1x128xi32, #tpu.memory_space<vmem>> -> memref<128xi32, #tpu.memory_space<vmem>>
          %dma_start3A_94 = arith.constant 0 : i32
          %dma_start3A_95 = arith.constant 0 : i32
          %dma_start3A_96 = tpu.memref_slice %arg2[%dma_start3A_94, %dma_start3A_95] : memref<10240x64xf32, #tpu.memory_space<hbm>> -> memref<10240x64xf32, #tpu.memory_space<hbm>>
          tpu.enqueue_indirect_dma source(%dma_start3A_96 : memref<10240x64xf32, #tpu.memory_space<hbm>>) target(%arg10 : memref<128x64xf32, #tpu.memory_space<vmem>>) offsets(%dma_start3A_93 : memref<128xi32, #tpu.memory_space<vmem>>) semaphore(%arg14 : memref<!tpu.dma_semaphore, #tpu.memory_space<semaphore_mem>>)
        } else {
        }
        %add3A_87 = arith.constant 1 : i32
        %add3A_88 = arith.addi %add3A_58, %add3A_87 : i32
        "tpu.region"() ({
          %run_scoped3A = tpu.sem_alloc : memref<!tpu.dma_semaphore, #tpu.memory_space<semaphore_mem>>
          %dma_start3A_89 = arith.constant 0 : i32
          %dma_start3A_90 = tpu.memref_slice %arg9[%add3A_88, %dma_start3A_89] : memref<160x128xi32, #tpu.memory_space<vmem>> -> memref<1x128xi32, #tpu.memory_space<vmem>>
          %dma_start3A_91 = tpu.memref_squeeze %dma_start3A_90 : memref<1x128xi32, #tpu.memory_space<vmem>> -> memref<128xi32, #tpu.memory_space<vmem>>
          %dma_start3A_92 = arith.constant 0 : i32
          %dma_start3A_93 = arith.constant 0 : i32
          %dma_start3A_94 = tpu.memref_slice %arg12[%dma_start3A_92, %dma_start3A_93] : memref<10240x64xf32, #tpu.memory_space<vmem_shared>> -> memref<10240x64xf32, #tpu.memory_space<vmem_shared>>
          tpu.enqueue_indirect_dma source(%arg11 : memref<128x64xf32, #tpu.memory_space<vmem>>) target(%dma_start3A_94 : memref<10240x64xf32, #tpu.memory_space<vmem_shared>>) offsets(%dma_start3A_91 : memref<128xi32, #tpu.memory_space<vmem>>) semaphore(%run_scoped3A : memref<!tpu.dma_semaphore, #tpu.memory_space<semaphore_mem>>) {add = true}
          %dma_wait3A_95 = arith.constant 0 : i32
          %dma_wait3A_96 = tpu.memref_slice %arg9[%add3A_88, %dma_wait3A_95] : memref<160x128xi32, #tpu.memory_space<vmem>> -> memref<1x128xi32, #tpu.memory_space<vmem>>
          %dma_wait3A_97 = tpu.memref_squeeze %dma_wait3A_96 : memref<1x128xi32, #tpu.memory_space<vmem>> -> memref<128xi32, #tpu.memory_space<vmem>>
          %dma_wait3A_98 = arith.constant 0 : i32
          %dma_wait3A_99 = arith.constant 0 : i32
          %dma_wait3A_100 = tpu.memref_slice %arg12[%dma_wait3A_98, %dma_wait3A_99] : memref<10240x64xf32, #tpu.memory_space<vmem_shared>> -> memref<10240x64xf32, #tpu.memory_space<vmem_shared>>
          tpu.wait_indirect_dma semaphore(%run_scoped3A : memref<!tpu.dma_semaphore, #tpu.memory_space<semaphore_mem>>) src(%arg11 : memref<128x64xf32, #tpu.memory_space<vmem>>) dst(%dma_wait3A_100 : memref<10240x64xf32, #tpu.memory_space<vmem_shared>>)
          tpu.yield
        }) : () -> ()
      }
      %scan3A_54 = arith.constant 80 : i32
    } else {
    }
    %eq3A_37 = arith.constant 1 : i32
    %eq3A_38 = arith.cmpi eq, %arg0, %eq3A_37 : i32
    %convert_element_type3A_39 = arith.extui %eq3A_38 : i1 to i32
    %cond3A_40 = arith.constant 0 : i32
    %cond3A_41 = arith.cmpi ne, %convert_element_type3A_39, %cond3A_40 : i32
    scf.if %cond3A_41 {
      %dma_start3A_43 = arith.constant 0 : i32
      %dma_start3A_44 = arith.constant 0 : i32
      %dma_start3A_45 = tpu.memref_slice %arg8[%dma_start3A_43, %dma_start3A_44] : memref<160x128xi32, #tpu.memory_space<vmem>> -> memref<1x128xi32, #tpu.memory_space<vmem>>
      %dma_start3A_46 = tpu.memref_squeeze %dma_start3A_45 : memref<1x128xi32, #tpu.memory_space<vmem>> -> memref<128xi32, #tpu.memory_space<vmem>>
      %dma_start3A_47 = arith.constant 0 : i32
      %dma_start3A_48 = arith.constant 0 : i32
      %dma_start3A_49 = tpu.memref_slice %arg3[%dma_start3A_47, %dma_start3A_48] : memref<10240x64xf32, #tpu.memory_space<hbm>> -> memref<10240x64xf32, #tpu.memory_space<hbm>>
      tpu.enqueue_indirect_dma source(%dma_start3A_49 : memref<10240x64xf32, #tpu.memory_space<hbm>>) target(%arg10 : memref<128x64xf32, #tpu.memory_space<vmem>>) offsets(%dma_start3A_46 : memref<128xi32, #tpu.memory_space<vmem>>) semaphore(%arg14 : memref<!tpu.dma_semaphore, #tpu.memory_space<semaphore_mem>>)
      %scan3A_50 = arith.constant 0 : i32
      %scan3A_51 = arith.constant 80 : i32
      %scan3A_52 = arith.addi %scan3A_50, %scan3A_51 : i32
      %scan3A_53 = arith.constant 1 : i32
      scf.for %scan3A_55 = %scan3A_50 to %scan3A_52 step %scan3A_53  : i32 {
        %mul3A_56 = arith.constant 2 : i32
        %mul3A_57 = arith.muli %scan3A_55, %mul3A_56 : i32
        %add3A = arith.constant 0 : i32
        %add3A_58 = arith.addi %add3A, %mul3A_57 : i32
        %dma_wait3A_59 = arith.constant 0 : i32
        %dma_wait3A_60 = tpu.memref_slice %arg8[%add3A_58, %dma_wait3A_59] : memref<160x128xi32, #tpu.memory_space<vmem>> -> memref<1x128xi32, #tpu.memory_space<vmem>>
        %dma_wait3A_61 = tpu.memref_squeeze %dma_wait3A_60 : memref<1x128xi32, #tpu.memory_space<vmem>> -> memref<128xi32, #tpu.memory_space<vmem>>
        %dma_wait3A_62 = arith.constant 0 : i32
        %dma_wait3A_63 = arith.constant 0 : i32
        %dma_wait3A_64 = tpu.memref_slice %arg3[%dma_wait3A_62, %dma_wait3A_63] : memref<10240x64xf32, #tpu.memory_space<hbm>> -> memref<10240x64xf32, #tpu.memory_space<hbm>>
        tpu.wait_indirect_dma semaphore(%arg14 : memref<!tpu.dma_semaphore, #tpu.memory_space<semaphore_mem>>) src(%dma_wait3A_64 : memref<10240x64xf32, #tpu.memory_space<hbm>>) dst(%arg10 : memref<128x64xf32, #tpu.memory_space<vmem>>)
        %add3A_65 = arith.constant 1 : i32
        %add3A_66 = arith.addi %add3A_58, %add3A_65 : i32
        %dma_start3A_67 = arith.constant 0 : i32
        %dma_start3A_68 = tpu.memref_slice %arg8[%add3A_66, %dma_start3A_67] : memref<160x128xi32, #tpu.memory_space<vmem>> -> memref<1x128xi32, #tpu.memory_space<vmem>>
        %dma_start3A_69 = tpu.memref_squeeze %dma_start3A_68 : memref<1x128xi32, #tpu.memory_space<vmem>> -> memref<128xi32, #tpu.memory_space<vmem>>
        %dma_start3A_70 = arith.constant 0 : i32
        %dma_start3A_71 = arith.constant 0 : i32
        %dma_start3A_72 = tpu.memref_slice %arg3[%dma_start3A_70, %dma_start3A_71] : memref<10240x64xf32, #tpu.memory_space<hbm>> -> memref<10240x64xf32, #tpu.memory_space<hbm>>
        tpu.enqueue_indirect_dma source(%dma_start3A_72 : memref<10240x64xf32, #tpu.memory_space<hbm>>) target(%arg11 : memref<128x64xf32, #tpu.memory_space<vmem>>) offsets(%dma_start3A_69 : memref<128xi32, #tpu.memory_space<vmem>>) semaphore(%arg15 : memref<!tpu.dma_semaphore, #tpu.memory_space<semaphore_mem>>)
        "tpu.region"() ({
          %run_scoped3A = tpu.sem_alloc : memref<!tpu.dma_semaphore, #tpu.memory_space<semaphore_mem>>
          %dma_start3A_89 = arith.constant 0 : i32
          %dma_start3A_90 = tpu.memref_slice %arg9[%add3A_58, %dma_start3A_89] : memref<160x128xi32, #tpu.memory_space<vmem>> -> memref<1x128xi32, #tpu.memory_space<vmem>>
          %dma_start3A_91 = tpu.memref_squeeze %dma_start3A_90 : memref<1x128xi32, #tpu.memory_space<vmem>> -> memref<128xi32, #tpu.memory_space<vmem>>
          %dma_start3A_92 = arith.constant 0 : i32
          %dma_start3A_93 = arith.constant 0 : i32
          %dma_start3A_94 = tpu.memref_slice %arg12[%dma_start3A_92, %dma_start3A_93] : memref<10240x64xf32, #tpu.memory_space<vmem_shared>> -> memref<10240x64xf32, #tpu.memory_space<vmem_shared>>
          tpu.enqueue_indirect_dma source(%arg10 : memref<128x64xf32, #tpu.memory_space<vmem>>) target(%dma_start3A_94 : memref<10240x64xf32, #tpu.memory_space<vmem_shared>>) offsets(%dma_start3A_91 : memref<128xi32, #tpu.memory_space<vmem>>) semaphore(%run_scoped3A : memref<!tpu.dma_semaphore, #tpu.memory_space<semaphore_mem>>) {add = true}
          %dma_wait3A_95 = arith.constant 0 : i32
          %dma_wait3A_96 = tpu.memref_slice %arg9[%add3A_58, %dma_wait3A_95] : memref<160x128xi32, #tpu.memory_space<vmem>> -> memref<1x128xi32, #tpu.memory_space<vmem>>
          %dma_wait3A_97 = tpu.memref_squeeze %dma_wait3A_96 : memref<1x128xi32, #tpu.memory_space<vmem>> -> memref<128xi32, #tpu.memory_space<vmem>>
          %dma_wait3A_98 = arith.constant 0 : i32
          %dma_wait3A_99 = arith.constant 0 : i32
          %dma_wait3A_100 = tpu.memref_slice %arg12[%dma_wait3A_98, %dma_wait3A_99] : memref<10240x64xf32, #tpu.memory_space<vmem_shared>> -> memref<10240x64xf32, #tpu.memory_space<vmem_shared>>
          tpu.wait_indirect_dma semaphore(%run_scoped3A : memref<!tpu.dma_semaphore, #tpu.memory_space<semaphore_mem>>) src(%arg10 : memref<128x64xf32, #tpu.memory_space<vmem>>) dst(%dma_wait3A_100 : memref<10240x64xf32, #tpu.memory_space<vmem_shared>>)
          tpu.yield
        }) : () -> ()
        %add3A_73 = arith.constant 1 : i32
        %add3A_74 = arith.addi %add3A_58, %add3A_73 : i32
        %dma_wait3A_75 = arith.constant 0 : i32
        %dma_wait3A_76 = tpu.memref_slice %arg8[%add3A_74, %dma_wait3A_75] : memref<160x128xi32, #tpu.memory_space<vmem>> -> memref<1x128xi32, #tpu.memory_space<vmem>>
        %dma_wait3A_77 = tpu.memref_squeeze %dma_wait3A_76 : memref<1x128xi32, #tpu.memory_space<vmem>> -> memref<128xi32, #tpu.memory_space<vmem>>
        %dma_wait3A_78 = arith.constant 0 : i32
        %dma_wait3A_79 = arith.constant 0 : i32
        %dma_wait3A_80 = tpu.memref_slice %arg3[%dma_wait3A_78, %dma_wait3A_79] : memref<10240x64xf32, #tpu.memory_space<hbm>> -> memref<10240x64xf32, #tpu.memory_space<hbm>>
        tpu.wait_indirect_dma semaphore(%arg15 : memref<!tpu.dma_semaphore, #tpu.memory_space<semaphore_mem>>) src(%dma_wait3A_80 : memref<10240x64xf32, #tpu.memory_space<hbm>>) dst(%arg11 : memref<128x64xf32, #tpu.memory_space<vmem>>)
        %add3A_81 = arith.constant 2 : i32
        %add3A_82 = arith.addi %add3A_58, %add3A_81 : i32
        %lt3A = arith.constant 160 : i32
        %lt3A_83 = arith.cmpi slt, %add3A_82, %lt3A : i32
        %convert_element_type3A_84 = arith.extui %lt3A_83 : i1 to i32
        %cond3A_85 = arith.constant 0 : i32
        %cond3A_86 = arith.cmpi ne, %convert_element_type3A_84, %cond3A_85 : i32
        scf.if %cond3A_86 {
          %add3A_89 = arith.constant 2 : i32
          %add3A_90 = arith.addi %add3A_58, %add3A_89 : i32
          %dma_start3A_91 = arith.constant 0 : i32
          %dma_start3A_92 = tpu.memref_slice %arg8[%add3A_90, %dma_start3A_91] : memref<160x128xi32, #tpu.memory_space<vmem>> -> memref<1x128xi32, #tpu.memory_space<vmem>>
          %dma_start3A_93 = tpu.memref_squeeze %dma_start3A_92 : memref<1x128xi32, #tpu.memory_space<vmem>> -> memref<128xi32, #tpu.memory_space<vmem>>
          %dma_start3A_94 = arith.constant 0 : i32
          %dma_start3A_95 = arith.constant 0 : i32
          %dma_start3A_96 = tpu.memref_slice %arg3[%dma_start3A_94, %dma_start3A_95] : memref<10240x64xf32, #tpu.memory_space<hbm>> -> memref<10240x64xf32, #tpu.memory_space<hbm>>
          tpu.enqueue_indirect_dma source(%dma_start3A_96 : memref<10240x64xf32, #tpu.memory_space<hbm>>) target(%arg10 : memref<128x64xf32, #tpu.memory_space<vmem>>) offsets(%dma_start3A_93 : memref<128xi32, #tpu.memory_space<vmem>>) semaphore(%arg14 : memref<!tpu.dma_semaphore, #tpu.memory_space<semaphore_mem>>)
        } else {
        }
        %add3A_87 = arith.constant 1 : i32
        %add3A_88 = arith.addi %add3A_58, %add3A_87 : i32
        "tpu.region"() ({
          %run_scoped3A = tpu.sem_alloc : memref<!tpu.dma_semaphore, #tpu.memory_space<semaphore_mem>>
          %dma_start3A_89 = arith.constant 0 : i32
          %dma_start3A_90 = tpu.memref_slice %arg9[%add3A_88, %dma_start3A_89] : memref<160x128xi32, #tpu.memory_space<vmem>> -> memref<1x128xi32, #tpu.memory_space<vmem>>
          %dma_start3A_91 = tpu.memref_squeeze %dma_start3A_90 : memref<1x128xi32, #tpu.memory_space<vmem>> -> memref<128xi32, #tpu.memory_space<vmem>>
          %dma_start3A_92 = arith.constant 0 : i32
          %dma_start3A_93 = arith.constant 0 : i32
          %dma_start3A_94 = tpu.memref_slice %arg12[%dma_start3A_92, %dma_start3A_93] : memref<10240x64xf32, #tpu.memory_space<vmem_shared>> -> memref<10240x64xf32, #tpu.memory_space<vmem_shared>>
          tpu.enqueue_indirect_dma source(%arg11 : memref<128x64xf32, #tpu.memory_space<vmem>>) target(%dma_start3A_94 : memref<10240x64xf32, #tpu.memory_space<vmem_shared>>) offsets(%dma_start3A_91 : memref<128xi32, #tpu.memory_space<vmem>>) semaphore(%run_scoped3A : memref<!tpu.dma_semaphore, #tpu.memory_space<semaphore_mem>>) {add = true}
          %dma_wait3A_95 = arith.constant 0 : i32
          %dma_wait3A_96 = tpu.memref_slice %arg9[%add3A_88, %dma_wait3A_95] : memref<160x128xi32, #tpu.memory_space<vmem>> -> memref<1x128xi32, #tpu.memory_space<vmem>>
          %dma_wait3A_97 = tpu.memref_squeeze %dma_wait3A_96 : memref<1x128xi32, #tpu.memory_space<vmem>> -> memref<128xi32, #tpu.memory_space<vmem>>
          %dma_wait3A_98 = arith.constant 0 : i32
          %dma_wait3A_99 = arith.constant 0 : i32
          %dma_wait3A_100 = tpu.memref_slice %arg12[%dma_wait3A_98, %dma_wait3A_99] : memref<10240x64xf32, #tpu.memory_space<vmem_shared>> -> memref<10240x64xf32, #tpu.memory_space<vmem_shared>>
          tpu.wait_indirect_dma semaphore(%run_scoped3A : memref<!tpu.dma_semaphore, #tpu.memory_space<semaphore_mem>>) src(%arg11 : memref<128x64xf32, #tpu.memory_space<vmem>>) dst(%dma_wait3A_100 : memref<10240x64xf32, #tpu.memory_space<vmem_shared>>)
          tpu.yield
        }) : () -> ()
      }
      %scan3A_54 = arith.constant 80 : i32
    } else {
    }
    %barrier3A_42 = arith.constant 0 : index
    tpu.barrier barrier_id(%barrier3A_42)
    "tpu.region"() ({
      %run_scoped3A = tpu.sem_alloc : memref<!tpu.dma_semaphore, #tpu.memory_space<semaphore_mem>>
      %dma_start3A_43 = arith.constant 0 : i32
      %dma_start3A_44 = tpu.memref_slice %arg7[%arg0, %mul3A_0, %dma_start3A_43] : memref<2x10240x64xf32, #tpu.memory_space<hbm>> -> memref<1x640x64xf32, #tpu.memory_space<hbm>>
      %dma_start3A_45 = tpu.memref_squeeze %dma_start3A_44 : memref<1x640x64xf32, #tpu.memory_space<hbm>> -> memref<640x64xf32, #tpu.memory_space<hbm>>
      %dma_start3A_46 = arith.constant 0 : i32
      %dma_start3A_47 = tpu.memref_slice %arg12[%mul3A_0, %dma_start3A_46] : memref<10240x64xf32, #tpu.memory_space<vmem_shared>> -> memref<640x64xf32, #tpu.memory_space<vmem_shared>>
      tpu.enqueue_dma source(%dma_start3A_47 : memref<640x64xf32, #tpu.memory_space<vmem_shared>>) target(%dma_start3A_45 : memref<640x64xf32, #tpu.memory_space<hbm>>) target_semaphore(%run_scoped3A : memref<!tpu.dma_semaphore, #tpu.memory_space<semaphore_mem>>)
      %dma_wait3A_48 = arith.constant 0 : i32
      %dma_wait3A_49 = tpu.memref_slice %arg7[%arg0, %mul3A_0, %dma_wait3A_48] : memref<2x10240x64xf32, #tpu.memory_space<hbm>> -> memref<1x640x64xf32, #tpu.memory_space<hbm>>
      %dma_wait3A_50 = tpu.memref_squeeze %dma_wait3A_49 : memref<1x640x64xf32, #tpu.memory_space<hbm>> -> memref<640x64xf32, #tpu.memory_space<hbm>>
      %dma_wait3A_51 = arith.constant 0 : i32
      %dma_wait3A_52 = tpu.memref_slice %arg12[%mul3A_0, %dma_wait3A_51] : memref<10240x64xf32, #tpu.memory_space<vmem_shared>> -> memref<640x64xf32, #tpu.memory_space<vmem_shared>>
      tpu.wait_dma2 semaphore(%run_scoped3A : memref<!tpu.dma_semaphore, #tpu.memory_space<semaphore_mem>>) src(%dma_wait3A_52 : memref<640x64xf32, #tpu.memory_space<vmem_shared>>) dst(%dma_wait3A_50 : memref<640x64xf32, #tpu.memory_space<hbm>>)
      tpu.yield
    }) : () -> ()
    return
  }
}

module attributes {stable_mosaic.version = 14 : i64} {
  func.func @body(%arg0: i32, %arg1: memref<1024x128xf32, #tpu.memory_space<vmem>>, %arg2: memref<128x128xf32, #tpu.memory_space<vmem>>, %arg3: memref<1024x128xf32, #tpu.memory_space<vmem>>) attributes {dimension_semantics = [#tpu.dimension_semantics<arbitrary>], iteration_bounds = array<i64: 10>, scalar_prefetch = 0 : i64, scratch_operands = 0 : i64, tpu.core_type = #tpu.core_type<tc>, window_params = [{transform_indices = @transform_0, window_bounds = array<i64: 1024, 128>}, {pipeline_mode = #tpu.pipeline_mode<synchronous>, transform_indices = @transform_1, window_bounds = array<i64: 128, 128>}, {transform_indices = @transform_2, window_bounds = array<i64: 1024, 128>}]} {
    %get3A = arith.constant 0 : index
    %get3A_0 = arith.constant 0 : index
    %get3A_1 = vector.load %arg1[%get3A, %get3A_0] : memref<1024x128xf32, #tpu.memory_space<vmem>>, vector<1024x128xf32>
    %get3A_2 = arith.constant 0 : index
    %get3A_3 = arith.constant 0 : index
    %get3A_4 = vector.load %arg2[%get3A_2, %get3A_3] : memref<128x128xf32, #tpu.memory_space<vmem>>, vector<128x128xf32>
    %dot_general3A = arith.constant dense<0.000000e+00> : vector<1024x128xf32>
    %dot_general3A_5 = tpu.matmul %get3A_1, %get3A_4, %dot_general3A {dimension_numbers = #tpu.dot_dimension_numbers<[1], [0], [0], [1], [0, 0, 1, 1], [], []>, transpose_lhs_hint = false} : vector<1024x128xf32>, vector<128x128xf32>, vector<1024x128xf32> -> vector<1024x128xf32>
    %swap3A = arith.constant 0 : index
    %swap3A_6 = arith.constant 0 : index
    %swap3A_7 = vector.load %arg3[%swap3A, %swap3A_6] : memref<1024x128xf32, #tpu.memory_space<vmem>>, vector<1024x128xf32>
    tpu.vector_store %arg3[%swap3A, %swap3A_6], %dot_general3A_5 {strides = array<i32>} : memref<1024x128xf32, #tpu.memory_space<vmem>>, vector<1024x128xf32>,
    return
  }
  func.func @transform_0(%arg0: i32) -> (i32, i32) {
    %c0_i32 = arith.constant 0 : i32
    %c0_i32_0 = arith.constant 0 : i32
    return %arg0, %c0_i32 : i32, i32
  }
  func.func @transform_1(%arg0: i32) -> (i32, i32) {
    %c0_i32 = arith.constant 0 : i32
    %c0_i32_0 = arith.constant 0 : i32
    %c0_i32_1 = arith.constant 0 : i32
    return %c0_i32, %c0_i32_0 : i32, i32
  }
  func.func @transform_2(%arg0: i32) -> (i32, i32) {
    %c0_i32 = arith.constant 0 : i32
    %c0_i32_0 = arith.constant 0 : i32
    return %arg0, %c0_i32 : i32, i32
  }
}

module attributes {stable_mosaic.version = 14 : i64} {
  func.func @body(%arg0: i32, %arg1: memref<1024x128xf32, #tpu.memory_space<vmem>>, %arg2: memref<2x1024x1xf32, #tpu.memory_space<vmem>>, %arg3: memref<1024x64xf32, #tpu.memory_space<vmem>>, %arg4: memref<1024x64xf32, #tpu.memory_space<vmem>>, %arg5: memref<1024x8xf32, #tpu.memory_space<vmem>>) attributes {dimension_semantics = [#tpu.dimension_semantics<arbitrary>], iteration_bounds = array<i64: 10>, scalar_prefetch = 0 : i64, scratch_operands = 0 : i64, tpu.core_type = #tpu.core_type<tc>, window_params = [{transform_indices = @transform_0, window_bounds = array<i64: 1024, 128>}, {transform_indices = @transform_1, window_bounds = array<i64: 2, 1024, 1>}, {transform_indices = @transform_2, window_bounds = array<i64: 1024, 64>}, {transform_indices = @transform_3, window_bounds = array<i64: 1024, 64>}, {transform_indices = @transform_4, window_bounds = array<i64: 1024, 8>}]} {
    %get3A = arith.constant 0 : index
    %get3A_0 = arith.constant 0 : index
    %get3A_1 = arith.constant 0 : index
    %get3A_2 = vector.load %arg2[%get3A, %get3A_0, %get3A_1] : memref<2x1024x1xf32, #tpu.memory_space<vmem>>, vector<1x1024x1xf32>
    %get3A_3 = vector.shape_cast %get3A_2 : vector<1x1024x1xf32> to vector<1024x1xf32>
    %add3A = arith.constant 1.000000e+00 : f32
    %add3A_4 = vector.broadcast %add3A : f32 to vector<1024x1xf32>
    %add3A_5 = arith.addf %add3A_4, %get3A_3 : vector<1024x1xf32>
    %get3A_6 = arith.constant 1 : index
    %get3A_7 = arith.constant 0 : index
    %get3A_8 = arith.constant 0 : index
    %get3A_9 = vector.load %arg2[%get3A_6, %get3A_7, %get3A_8] : memref<2x1024x1xf32, #tpu.memory_space<vmem>>, vector<1x1024x1xf32>
    %get3A_10 = vector.shape_cast %get3A_9 : vector<1x1024x1xf32> to vector<1024x1xf32>
    %add3A_11 = arith.addf %add3A_5, %get3A_10 : vector<1024x1xf32>
    %mul3A = arith.constant 1024 : i32
    %mul3A_12 = arith.muli %arg0, %mul3A : i32
    %iota3A = tpu.iota {dimensions = array<i32: 0>} : vector<1024x1xi32>
    %add3A_13 = vector.broadcast %mul3A_12 : i32 to vector<1024x1xi32>
    %add3A_14 = arith.addi %add3A_13, %iota3A : vector<1024x1xi32>
    %lt3A = arith.constant 7680 : i32
    %lt3A_15 = vector.broadcast %lt3A : i32 to vector<1024x1xi32>
    %lt3A_16 = arith.cmpi slt, %add3A_14, %lt3A_15 : vector<1024x1xi32>
    %jit3A = arith.constant 1.000000e+00 : f32
    %jit3A_17 = arith.constant 0.000000e+00 : f32
    %broadcast_in_dim3A = vector.broadcast %jit3A : f32 to vector<1024x1xf32>
    %broadcast_in_dim3A_18 = vector.broadcast %jit3A_17 : f32 to vector<1024x1xf32>
    %select_n3A = arith.select %lt3A_16, %broadcast_in_dim3A, %broadcast_in_dim3A_18 : vector<1024x1xi1>, vector<1024x1xf32>
    %sub3A = arith.subf %add3A_11, %select_n3A : vector<1024x1xf32>
    %rsqrt3A = math.rsqrt %sub3A : vector<1024x1xf32>
    %broadcast_in_dim3A_19 = vector.shape_cast %rsqrt3A : vector<1024x1xf32> to vector<1024x1xf32>
    %broadcast_in_dim3A_20 = vector.broadcast %broadcast_in_dim3A_19 : vector<1024x1xf32> to vector<1024x8xf32>
    %swap3A = arith.constant 0 : index
    %swap3A_21 = arith.constant 0 : index
    %swap3A_22 = vector.load %arg5[%swap3A, %swap3A_21] : memref<1024x8xf32, #tpu.memory_space<vmem>>, vector<1024x8xf32>
    tpu.vector_store %arg5[%swap3A, %swap3A_21], %broadcast_in_dim3A_20 {strides = array<i32>} : memref<1024x8xf32, #tpu.memory_space<vmem>>, vector<1024x8xf32>,
    %get3A_23 = arith.constant 0 : index
    %get3A_24 = arith.constant 0 : index
    %get3A_25 = vector.load %arg1[%get3A_23, %get3A_24] : memref<1024x128xf32, #tpu.memory_space<vmem>>, vector<1024x128xf32>
    %mul3A_26 = vector.broadcast %rsqrt3A : vector<1024x1xf32> to vector<1024x128xf32>
    %mul3A_27 = arith.mulf %get3A_25, %mul3A_26 : vector<1024x128xf32>
    %slice3A = vector.extract_strided_slice %mul3A_27 {offsets = [0, 0], sizes = [1024, 64], strides = [1, 1]} : vector<1024x128xf32> to vector<1024x64xf32>
    %swap3A_28 = arith.constant 0 : index
    %swap3A_29 = arith.constant 0 : index
    %swap3A_30 = vector.load %arg3[%swap3A_28, %swap3A_29] : memref<1024x64xf32, #tpu.memory_space<vmem>>, vector<1024x64xf32>
    tpu.vector_store %arg3[%swap3A_28, %swap3A_29], %slice3A {strides = array<i32>} : memref<1024x64xf32, #tpu.memory_space<vmem>>, vector<1024x64xf32>,
    %slice3A_31 = vector.extract_strided_slice %mul3A_27 {offsets = [0, 64], sizes = [1024, 64], strides = [1, 1]} : vector<1024x128xf32> to vector<1024x64xf32>
    %swap3A_32 = arith.constant 0 : index
    %swap3A_33 = arith.constant 0 : index
    %swap3A_34 = vector.load %arg4[%swap3A_32, %swap3A_33] : memref<1024x64xf32, #tpu.memory_space<vmem>>, vector<1024x64xf32>
    tpu.vector_store %arg4[%swap3A_32, %swap3A_33], %slice3A_31 {strides = array<i32>} : memref<1024x64xf32, #tpu.memory_space<vmem>>, vector<1024x64xf32>,
    return
  }
  func.func @transform_0(%arg0: i32) -> (i32, i32) {
    %c0_i32 = arith.constant 0 : i32
    %c0_i32_0 = arith.constant 0 : i32
    return %arg0, %c0_i32 : i32, i32
  }
  func.func @transform_1(%arg0: i32) -> (i32, i32, i32) {
    %c0_i32 = arith.constant 0 : i32
    %c0_i32_0 = arith.constant 0 : i32
    %c0_i32_1 = arith.constant 0 : i32
    return %c0_i32, %arg0, %c0_i32_0 : i32, i32, i32
  }
  func.func @transform_2(%arg0: i32) -> (i32, i32) {
    %c0_i32 = arith.constant 0 : i32
    %c0_i32_0 = arith.constant 0 : i32
    return %arg0, %c0_i32 : i32, i32
  }
  func.func @transform_3(%arg0: i32) -> (i32, i32) {
    %c0_i32 = arith.constant 0 : i32
    %c0_i32_0 = arith.constant 0 : i32
    return %arg0, %c0_i32 : i32, i32
  }
  func.func @transform_4(%arg0: i32) -> (i32, i32) {
    %c0_i32 = arith.constant 0 : i32
    %c0_i32_0 = arith.constant 0 : i32
    return %arg0, %c0_i32 : i32, i32
  }
}

module attributes {stable_mosaic.version = 14 : i64} {
  func.func @body(%arg0: i32, %arg1: memref<2x1024x64xf32, #tpu.memory_space<vmem>>, %arg2: memref<1024x64xf32, #tpu.memory_space<vmem>>, %arg3: memref<1024x64xf32, #tpu.memory_space<vmem>>, %arg4: memref<1024x8xf32, #tpu.memory_space<vmem>>, %arg5: memref<1x128xf32, #tpu.memory_space<vmem>>, %arg6: memref<128x64xf32, #tpu.memory_space<vmem>>, %arg7: memref<1024x64xf32, #tpu.memory_space<vmem>>) attributes {dimension_semantics = [#tpu.dimension_semantics<arbitrary>], iteration_bounds = array<i64: 10>, scalar_prefetch = 0 : i64, scratch_operands = 0 : i64, tpu.core_type = #tpu.core_type<tc>, window_params = [{transform_indices = @transform_0, window_bounds = array<i64: 2, 1024, 64>}, {transform_indices = @transform_1, window_bounds = array<i64: 1024, 64>}, {transform_indices = @transform_2, window_bounds = array<i64: 1024, 64>}, {transform_indices = @transform_3, window_bounds = array<i64: 1024, 8>}, {pipeline_mode = #tpu.pipeline_mode<synchronous>, transform_indices = @transform_4, window_bounds = array<i64: 1, 128>}, {pipeline_mode = #tpu.pipeline_mode<synchronous>, transform_indices = @transform_5, window_bounds = array<i64: 128, 64>}, {transform_indices = @transform_6, window_bounds = array<i64: 1024, 64>}]} {
    %get3A = arith.constant 0 : index
    %get3A_0 = arith.constant 0 : index
    %get3A_1 = vector.load %arg4[%get3A, %get3A_0] : memref<1024x8xf32, #tpu.memory_space<vmem>>, vector<1024x1xf32>
    %get3A_2 = arith.constant 0 : index
    %get3A_3 = arith.constant 0 : index
    %get3A_4 = arith.constant 0 : index
    %get3A_5 = vector.load %arg1[%get3A_2, %get3A_3, %get3A_4] : memref<2x1024x64xf32, #tpu.memory_space<vmem>>, vector<1x1024x64xf32>
    %get3A_6 = vector.shape_cast %get3A_5 : vector<1x1024x64xf32> to vector<1024x64xf32>
    %get3A_7 = arith.constant 0 : index
    %get3A_8 = arith.constant 0 : index
    %get3A_9 = vector.load %arg2[%get3A_7, %get3A_8] : memref<1024x64xf32, #tpu.memory_space<vmem>>, vector<1024x64xf32>
    %add3A = arith.addf %get3A_6, %get3A_9 : vector<1024x64xf32>
    %mul3A = vector.broadcast %get3A_1 : vector<1024x1xf32> to vector<1024x64xf32>
    %mul3A_10 = arith.mulf %mul3A, %add3A : vector<1024x64xf32>
    %get3A_11 = arith.constant 0 : index
    %get3A_12 = arith.constant 0 : index
    %get3A_13 = vector.load %arg5[%get3A_11, %get3A_12] : memref<1x128xf32, #tpu.memory_space<vmem>>, vector<1x64xf32>
    %add3A_14 = vector.broadcast %get3A_13 : vector<1x64xf32> to vector<1024x64xf32>
    %add3A_15 = arith.addf %mul3A_10, %add3A_14 : vector<1024x64xf32>
    %max3A = arith.constant 0.000000e+00 : f32
    %max3A_16 = vector.broadcast %max3A : f32 to vector<1024x64xf32>
    %max3A_17 = arith.maximumf %add3A_15, %max3A_16 : vector<1024x64xf32>
    %get3A_18 = arith.constant 1 : index
    %get3A_19 = arith.constant 0 : index
    %get3A_20 = arith.constant 0 : index
    %get3A_21 = vector.load %arg1[%get3A_18, %get3A_19, %get3A_20] : memref<2x1024x64xf32, #tpu.memory_space<vmem>>, vector<1x1024x64xf32>
    %get3A_22 = vector.shape_cast %get3A_21 : vector<1x1024x64xf32> to vector<1024x64xf32>
    %get3A_23 = arith.constant 0 : index
    %get3A_24 = arith.constant 0 : index
    %get3A_25 = vector.load %arg3[%get3A_23, %get3A_24] : memref<1024x64xf32, #tpu.memory_space<vmem>>, vector<1024x64xf32>
    %add3A_26 = arith.addf %get3A_22, %get3A_25 : vector<1024x64xf32>
    %mul3A_27 = vector.broadcast %get3A_1 : vector<1024x1xf32> to vector<1024x64xf32>
    %mul3A_28 = arith.mulf %mul3A_27, %add3A_26 : vector<1024x64xf32>
    %get3A_29 = arith.constant 0 : index
    %get3A_30 = arith.constant 64 : index
    %get3A_31 = vector.load %arg5[%get3A_29, %get3A_30] : memref<1x128xf32, #tpu.memory_space<vmem>>, vector<1x64xf32>
    %add3A_32 = vector.broadcast %get3A_31 : vector<1x64xf32> to vector<1024x64xf32>
    %add3A_33 = arith.addf %mul3A_28, %add3A_32 : vector<1024x64xf32>
    %max3A_34 = arith.constant 0.000000e+00 : f32
    %max3A_35 = vector.broadcast %max3A_34 : f32 to vector<1024x64xf32>
    %max3A_36 = arith.maximumf %add3A_33, %max3A_35 : vector<1024x64xf32>
    %get3A_37 = arith.constant 0 : index
    %get3A_38 = arith.constant 0 : index
    %get3A_39 = vector.load %arg6[%get3A_37, %get3A_38] : memref<128x64xf32, #tpu.memory_space<vmem>>, vector<64x64xf32>
    %dot_general3A = arith.constant dense<0.000000e+00> : vector<1024x64xf32>
    %dot_general3A_40 = tpu.matmul %max3A_17, %get3A_39, %dot_general3A {dimension_numbers = #tpu.dot_dimension_numbers<[1], [0], [0], [1], [0, 0, 1, 1], [], []>, transpose_lhs_hint = false} : vector<1024x64xf32>, vector<64x64xf32>, vector<1024x64xf32> -> vector<1024x64xf32>
    %get3A_41 = arith.constant 64 : index
    %get3A_42 = arith.constant 0 : index
    %get3A_43 = vector.load %arg6[%get3A_41, %get3A_42] : memref<128x64xf32, #tpu.memory_space<vmem>>, vector<64x64xf32>
    %dot_general3A_44 = arith.constant dense<0.000000e+00> : vector<1024x64xf32>
    %dot_general3A_45 = tpu.matmul %max3A_36, %get3A_43, %dot_general3A_44 {dimension_numbers = #tpu.dot_dimension_numbers<[1], [0], [0], [1], [0, 0, 1, 1], [], []>, transpose_lhs_hint = false} : vector<1024x64xf32>, vector<64x64xf32>, vector<1024x64xf32> -> vector<1024x64xf32>
    %add3A_46 = arith.addf %dot_general3A_40, %dot_general3A_45 : vector<1024x64xf32>
    %mul3A_47 = arith.constant 1024 : i32
    %mul3A_48 = arith.muli %arg0, %mul3A_47 : i32
    %iota3A = tpu.iota {dimensions = array<i32: 0>} : vector<1024x1xi32>
    %add3A_49 = vector.broadcast %mul3A_48 : i32 to vector<1024x1xi32>
    %add3A_50 = arith.addi %add3A_49, %iota3A : vector<1024x1xi32>
    %lt3A = arith.constant 10000 : i32
    %lt3A_51 = vector.broadcast %lt3A : i32 to vector<1024x1xi32>
    %lt3A_52 = arith.cmpi slt, %add3A_50, %lt3A_51 : vector<1024x1xi32>
    %mul3A_53 = vector.broadcast %get3A_1 : vector<1024x1xf32> to vector<1024x64xf32>
    %mul3A_54 = arith.mulf %add3A_46, %mul3A_53 : vector<1024x64xf32>
    %jit3A = arith.constant 0.000000e+00 : f32
    %broadcast_in_dim3A = vector.shape_cast %lt3A_52 : vector<1024x1xi1> to vector<1024x1xi1>
    %broadcast_in_dim3A_55 = vector.broadcast %broadcast_in_dim3A : vector<1024x1xi1> to vector<1024x64xi1>
    %broadcast_in_dim3A_56 = vector.broadcast %jit3A : f32 to vector<1024x64xf32>
    %select_n3A = arith.select %broadcast_in_dim3A_55, %mul3A_54, %broadcast_in_dim3A_56 : vector<1024x64xi1>, vector<1024x64xf32>
    %swap3A = arith.constant 0 : index
    %swap3A_57 = arith.constant 0 : index
    %swap3A_58 = vector.load %arg7[%swap3A, %swap3A_57] : memref<1024x64xf32, #tpu.memory_space<vmem>>, vector<1024x64xf32>
    tpu.vector_store %arg7[%swap3A, %swap3A_57], %select_n3A {strides = array<i32>} : memref<1024x64xf32, #tpu.memory_space<vmem>>, vector<1024x64xf32>,
    return
  }
  func.func @transform_0(%arg0: i32) -> (i32, i32, i32) {
    %c0_i32 = arith.constant 0 : i32
    %c0_i32_0 = arith.constant 0 : i32
    %c0_i32_1 = arith.constant 0 : i32
    return %c0_i32, %arg0, %c0_i32_0 : i32, i32, i32
  }
  func.func @transform_1(%arg0: i32) -> (i32, i32) {
    %c0_i32 = arith.constant 0 : i32
    %c0_i32_0 = arith.constant 0 : i32
    return %arg0, %c0_i32 : i32, i32
  }
  func.func @transform_2(%arg0: i32) -> (i32, i32) {
    %c0_i32 = arith.constant 0 : i32
    %c0_i32_0 = arith.constant 0 : i32
    return %arg0, %c0_i32 : i32, i32
  }
  func.func @transform_3(%arg0: i32) -> (i32, i32) {
    %c0_i32 = arith.constant 0 : i32
    %c0_i32_0 = arith.constant 0 : i32
    return %arg0, %c0_i32 : i32, i32
  }
  func.func @transform_4(%arg0: i32) -> (i32, i32) {
    %c0_i32 = arith.constant 0 : i32
    %c0_i32_0 = arith.constant 0 : i32
    %c0_i32_1 = arith.constant 0 : i32
    return %c0_i32, %c0_i32_0 : i32, i32
  }
  func.func @transform_5(%arg0: i32) -> (i32, i32) {
    %c0_i32 = arith.constant 0 : i32
    %c0_i32_0 = arith.constant 0 : i32
    %c0_i32_1 = arith.constant 0 : i32
    return %c0_i32, %c0_i32_0 : i32, i32
  }
  func.func @transform_6(%arg0: i32) -> (i32, i32) {
    %c0_i32 = arith.constant 0 : i32
    %c0_i32_0 = arith.constant 0 : i32
    return %arg0, %c0_i32 : i32, i32
  }
}

module attributes {stable_mosaic.version = 14 : i64} {
  func.func @body(%arg0: i32, %arg1: memref<2x1024x64xf32, #tpu.memory_space<vmem>>, %arg2: memref<1024x64xf32, #tpu.memory_space<vmem>>, %arg3: memref<1024x8xf32, #tpu.memory_space<vmem>>, %arg4: memref<1x64xf32, #tpu.memory_space<vmem>>, %arg5: memref<1024x64xf32, #tpu.memory_space<vmem>>) attributes {dimension_semantics = [#tpu.dimension_semantics<arbitrary>], iteration_bounds = array<i64: 10>, scalar_prefetch = 0 : i64, scratch_operands = 0 : i64, tpu.core_type = #tpu.core_type<tc>, window_params = [{transform_indices = @transform_0, window_bounds = array<i64: 2, 1024, 64>}, {transform_indices = @transform_1, window_bounds = array<i64: 1024, 64>}, {transform_indices = @transform_2, window_bounds = array<i64: 1024, 8>}, {pipeline_mode = #tpu.pipeline_mode<synchronous>, transform_indices = @transform_3, window_bounds = array<i64: 1, 64>}, {transform_indices = @transform_4, window_bounds = array<i64: 1024, 64>}]} {
    %get3A = arith.constant 0 : index
    %get3A_0 = arith.constant 0 : index
    %get3A_1 = arith.constant 0 : index
    %get3A_2 = vector.load %arg1[%get3A, %get3A_0, %get3A_1] : memref<2x1024x64xf32, #tpu.memory_space<vmem>>, vector<1x1024x64xf32>
    %get3A_3 = vector.shape_cast %get3A_2 : vector<1x1024x64xf32> to vector<1024x64xf32>
    %get3A_4 = arith.constant 1 : index
    %get3A_5 = arith.constant 0 : index
    %get3A_6 = arith.constant 0 : index
    %get3A_7 = vector.load %arg1[%get3A_4, %get3A_5, %get3A_6] : memref<2x1024x64xf32, #tpu.memory_space<vmem>>, vector<1x1024x64xf32>
    %get3A_8 = vector.shape_cast %get3A_7 : vector<1x1024x64xf32> to vector<1024x64xf32>
    %add3A = arith.addf %get3A_3, %get3A_8 : vector<1024x64xf32>
    %get3A_9 = arith.constant 0 : index
    %get3A_10 = arith.constant 0 : index
    %get3A_11 = vector.load %arg2[%get3A_9, %get3A_10] : memref<1024x64xf32, #tpu.memory_space<vmem>>, vector<1024x64xf32>
    %add3A_12 = arith.addf %add3A, %get3A_11 : vector<1024x64xf32>
    %get3A_13 = arith.constant 0 : index
    %get3A_14 = arith.constant 0 : index
    %get3A_15 = vector.load %arg3[%get3A_13, %get3A_14] : memref<1024x8xf32, #tpu.memory_space<vmem>>, vector<1024x1xf32>
    %mul3A = vector.broadcast %get3A_15 : vector<1024x1xf32> to vector<1024x64xf32>
    %mul3A_16 = arith.mulf %mul3A, %add3A_12 : vector<1024x64xf32>
    %get3A_17 = arith.constant 0 : index
    %get3A_18 = arith.constant 0 : index
    %get3A_19 = vector.load %arg4[%get3A_17, %get3A_18] : memref<1x64xf32, #tpu.memory_space<vmem>>, vector<1x64xf32>
    %add3A_20 = vector.broadcast %get3A_19 : vector<1x64xf32> to vector<1024x64xf32>
    %add3A_21 = arith.addf %mul3A_16, %add3A_20 : vector<1024x64xf32>
    %swap3A = arith.constant 0 : index
    %swap3A_22 = arith.constant 0 : index
    %swap3A_23 = vector.load %arg5[%swap3A, %swap3A_22] : memref<1024x64xf32, #tpu.memory_space<vmem>>, vector<1024x64xf32>
    tpu.vector_store %arg5[%swap3A, %swap3A_22], %add3A_21 {strides = array<i32>} : memref<1024x64xf32, #tpu.memory_space<vmem>>, vector<1024x64xf32>,
    return
  }
  func.func @transform_0(%arg0: i32) -> (i32, i32, i32) {
    %c0_i32 = arith.constant 0 : i32
    %c0_i32_0 = arith.constant 0 : i32
    %c0_i32_1 = arith.constant 0 : i32
    return %c0_i32, %arg0, %c0_i32_0 : i32, i32, i32
  }
  func.func @transform_1(%arg0: i32) -> (i32, i32) {
    %c0_i32 = arith.constant 0 : i32
    %c0_i32_0 = arith.constant 0 : i32
    return %arg0, %c0_i32 : i32, i32
  }
  func.func @transform_2(%arg0: i32) -> (i32, i32) {
    %c0_i32 = arith.constant 0 : i32
    %c0_i32_0 = arith.constant 0 : i32
    return %arg0, %c0_i32 : i32, i32
  }
  func.func @transform_3(%arg0: i32) -> (i32, i32) {
    %c0_i32 = arith.constant 0 : i32
    %c0_i32_0 = arith.constant 0 : i32
    %c0_i32_1 = arith.constant 0 : i32
    return %c0_i32, %c0_i32_0 : i32, i32
  }
  func.func @transform_4(%arg0: i32) -> (i32, i32) {
    %c0_i32 = arith.constant 0 : i32
    %c0_i32_0 = arith.constant 0 : i32
    return %arg0, %c0_i32 : i32, i32
  }
}

</mosaic_0001>

<sc_bundles>
// kernel: kernel.12.cloned.1.call-start
scs
__scs_entry_jumppad:
0x0: {  	(pc) =	sbr.rel $0x88, $3  }
0x1: {  	(tag) =	ssettag $0x0;
	lr =	simm.s32 $0x1  }
0x2: {  	[smem:$0x3F9B] =	sst lr;
	_ =	strace $0xD0000000  }
0x3: {  	_ = 	snop  }
0x4: {  	_ = 	snop  }
0x5: {  	_ = 	snop  }
0x6: {  	_ = 	snop  }
0x7: {  	_ = 	snop  }
__scs_overlays_trampoline_lowered:
0x8: {  	[smem:$0x3FAA] =	sst s0  }
0x9: {  	[smem:$0x3FAB] =	sst s1  }
0xa: {  	[smem:$0x3FAC] =	sst s2  }
0xb: {  	[smem:$0x3FAD] =	sst s3  }
0xc: {  	[smem:$0x3FAE] =	sst s4  }
0xd: {  	[smem:$0x3FAF] =	sst s5  }
0xe: {  	[smem:$0x3FB0] =	sst s6  }
0xf: {  	[smem:$0x3FB1] =	sst s7  }
0x10: {  	[smem:$0x3FB2] =	sst s8  }
0x11: {  	[smem:$0x3FB3] =	sst s9;
	s0 =	simm.s32 @!p0 $0x0  }
0x12: {  	s1 =	sld [smem:$0x3F99];
	s0 =	simm.s32 @p0 $0x1  }
0x13: {  	[smem:$0x3FB4] =	sst s0;
	s0 =	simm.s32 @!p1 $0x0  }
0x14: {  	s2 =	sld [smem:$0x3F98];
	s0 =	simm.s32 @p1 $0x1  }
0x15: {  	[smem:$0x3FB5] =	sst s0;
	s0 =	simm.s32 @!p2 $0x0  }
0x16: {  	s3 =	sld [smem:$0x3FDB];
	s0 =	simm.s32 @p2 $0x1  }
0x17: {  	s4 =	simm.s32 $0x1BF5;
	[smem:$0x3FB7] =	sst s0  }
0x18: {  	s0 =	sld [smem:$0x3F9A];
	_ =	swait.ge [sflag:s4], $0x0  }
0x19: {  	s7 =	sld [smem:$0x3F9B]  }
0x1a: {  	s8 =	sadd.s32 $0xFFFFE003, lr  }
0x1b: {  	s9 =	sadd.s32 $0xFFFFFEF7, lr;
	s5 =	simm.s32 $0xFFFFFFFF;
	p2 =	slt.u32 s8, $0xFFFFF086  }
0x1c: {  	p1 =	slt.u32 s9, $0xF7A;
	s5 =	simm.s32 @!p2 $0x0  }
0x1d: {  	s5 =	simm.s32 @p1 $0x1;
	p0 =	seq.s32 s7, s2  }
0x1e: {  	s7 =	smul.u32 @!p0 $0xF7A, s2;
	p2 =	seq.s32 @!p0 s5, $0x0  }
0x1f: {  	s9 =	smul.u32 $0xF7A, s1;
	s8 =	simm.s32 @!p0 $0x1BF5;
	p2 =	por !p2, p0  }
0x20: {  	[sflag:s8] =	ssyncset.s32 @!p0 $0xFFFFF086;
	s6 =	sadd.s32 @!p0 s3, s7;
	s7 =	simm.s32 @!p0 $0x108  }
0x21: {  	s3 =	sadd.s32 s3, s9;
	s6 =	sadd.s32 @!p0 $0x88, s6;
	s7 =	simm.s32 @p2 $0x1082  }
0x22: {  	[simem:s7], [sflag:s8] =	dma.local @!p0 [hbm:s6], $0xF7A  }
0x23: {  	s9 =	sor.u32 $0xD0000000, s2;
	s6 =	simm.s32 $0x108;
	_ =	swait.ge @!p0 [sflag:s8], $0x0  }
0x24: {  	s3 =	sadd.s32 $0x88, s3;
	s6 =	simm.s32 @!p1 $0x1082;
	[sflag:s4] =	ssyncset.s32 $0xFFFFF086  }
0x25: {  	[simem:s6], [sflag:s4] =	dma.local [hbm:s3], $0xF7A  }
0x26: {  	[smem:$0x3F9B] =	sst s1;
	(tag) =	ssettag s2;
	_ =	strace s9  }
0x27: {  	s1 =	sld [smem:$0x3FAB]  }
0x28: {  	s2 =	sld [smem:$0x3FAC]  }
0x29: {  	s4 =	sld [smem:$0x3FAE]  }
0x2a: {  	p0 =	seq.s32 s5, $0x0;
	s5 =	sld [smem:$0x3FAF]  }
0x2b: {  	s6 =	sld [smem:$0x3FB0]  }
0x2c: {  	s7 =	sld [smem:$0x3FB1]  }
0x2d: {  	s3 =	simm.s32 $0x108;
	s8 =	sld [smem:$0x3FB2]  }
0x2e: {  	s3 =	simm.s32 @!p0 $0x1082;
	s9 =	sld [smem:$0x3FB3]  }
0x2f: {  	lr =	sadd.s32 s0, s3;
	s0 =	sld [smem:$0x3FAA]  }
0x30: {  	s3 =	sld [smem:$0x3FAD]  }
0x31: {  	[smem:$0x3FB6] =	sst s10  }
0x32: {  	s10 =	sld [smem:$0x3FB4];
	_ =	sdelay $0x3  }
0x33: {  	p0 =	seq.s32 s10, $0x1;
	s10 =	sld [smem:$0x3FB6];
	_ =	sdelay $0x3  }
0x34: {  	[smem:$0x3FB6] =	sst s10  }
0x35: {  	s10 =	sld [smem:$0x3FB5];
	_ =	sdelay $0x3  }
0x36: {  	p1 =	seq.s32 s10, $0x1;
	s10 =	sld [smem:$0x3FB6];
	_ =	sdelay $0x3  }
0x37: {  	[smem:$0x3FB6] =	sst s10  }
0x38: {  	s10 =	sld [smem:$0x3FB7]  }
0x39: {  	_ = 	snop;
	(pc) =	sbr.ind lr, $3  }
0x3a: {  	_ = 	snop  }
0x3b: {  	_ = 	snop  }
0x3c: {  	p2 =	seq.s32 s10, $0x1;
	s10 =	sld [smem:$0x3FB6]  }
0x3d: {  	_ =	shalt  }
0x3e: {  	_ =	shalt  }
0x3f: {  	_ =	shalt  }
0x40: {  	_ =	shalt  }
0x41: {  	_ =	shalt  }
0x42: {  	_ =	shalt  }
0x43: {  	_ =	shalt  }
0x44: {  	_ =	shalt  }
0x45: {  	_ =	shalt  }
0x46: {  	_ =	shalt  }
0x47: {  	_ =	shalt  }
0x48: {  	_ =	shalt  }
0x49: {  	_ =	shalt  }
0x4a: {  	_ =	shalt  }
0x4b: {  	_ =	shalt  }
0x4c: {  	_ =	shalt  }
0x4d: {  	_ =	shalt  }
0x4e: {  	_ =	shalt  }
0x4f: {  	_ =	shalt  }
0x50: {  	_ =	shalt  }
0x51: {  	_ =	shalt  }
0x52: {  	_ =	shalt  }
0x53: {  	_ =	shalt  }
0x54: {  	_ =	shalt  }
0x55: {  	_ =	shalt  }
0x56: {  	_ =	shalt  }
0x57: {  	_ =	shalt  }
0x58: {  	_ =	shalt  }
0x59: {  	_ =	shalt  }
0x5a: {  	_ =	shalt  }
0x5b: {  	_ =	shalt  }
0x5c: {  	_ =	shalt  }
0x5d: {  	_ =	shalt  }
0x5e: {  	_ =	shalt  }
0x5f: {  	_ =	shalt  }
0x60: {  	_ =	shalt  }
0x61: {  	_ =	shalt  }
0x62: {  	_ =	shalt  }
0x63: {  	_ =	shalt  }
0x64: {  	_ =	shalt  }
0x65: {  	_ =	shalt  }
0x66: {  	_ =	shalt  }
0x67: {  	_ =	shalt  }
0x68: {  	_ =	shalt  }
0x69: {  	_ =	shalt  }
0x6a: {  	_ =	shalt  }
0x6b: {  	_ =	shalt  }
0x6c: {  	_ =	shalt  }
0x6d: {  	_ =	shalt  }
0x6e: {  	_ =	shalt  }
0x6f: {  	_ =	shalt  }
0x70: {  	_ =	shalt  }
0x71: {  	_ =	shalt  }
0x72: {  	_ =	shalt  }
0x73: {  	_ =	shalt  }
0x74: {  	_ =	shalt  }
0x75: {  	_ =	shalt  }
0x76: {  	_ =	shalt  }
0x77: {  	_ =	shalt  }
0x78: {  	_ =	shalt  }
0x79: {  	_ =	shalt  }
0x7a: {  	_ =	shalt  }
0x7b: {  	_ =	shalt  }
0x7c: {  	_ =	shalt  }
0x7d: {  	_ =	shalt  }
0x7e: {  	_ =	shalt  }
0x7f: {  	_ =	shalt  }
0x80: {  	_ =	shalt  }
0x81: {  	_ =	shalt  }
0x82: {  	_ =	shalt  }
0x83: {  	_ =	shalt  }
0x84: {  	_ =	shalt  }
0x85: {  	_ =	shalt  }
0x86: {  	_ =	shalt  }
0x87: {  	_ =	shalt  }
.Lfunc_end0:
.L_simem_size_0:
called_computation.1_lowered:
.L_overlay_start_0:
0x88: {  	s2 =	sld [smem:$0x3FD9]  }
0x89: {  	s3 =	sld [smem:$0x3FFE];
	_ =	sdelay $0x1  }
0x8a: {  	s1 =	srdreg.scid  }
0x8b: {  	s0 =	sand.u32 $0x1, s1  }
0x8c: {  	s17 =	sshll.u32 s0, $0xA;
	s2 =	sadd.s32 s3, s2  }
0x8d: {  	s2 =	sadd.s32 s2, s17  }
0x8e: {  	[smem:$0x3FC2] =	sst s2  }
0x8f: {  	_ = 	snop  }
0x90: {  	s2 =	sld [smem:$0x3FD0];
	(tm) =	ssettm $0x1  }
0x91: {  	s18 =	sld [smem:$0x3FFB];
	_ =	sdelay $0x3  }
0x92: {  	_ =	strace s18  }
0x93: {  	s3 =	sld [smem:$0x3FFC];
	_ =	sdelay $0x3  }
0x94: {  	_ =	strace s3  }
0x95: {  	s3 =	sld [smem:$0x3FFD];
	_ =	sdelay $0x3  }
0x96: {  	_ =	strace s3  }
0x97: {  	_ =	strace $0x8FFFFFFF  }
0x98: {  	s19 =	sld [smem:$0x3FDB];
	_ =	sdelay $0x1  }
0x99: {  	s4 =	simm.s32 $_scs_section_size  }
0x9a: {  	s5 =	simm.s32 $_size__tile_overlayer_lowered;
	s6 =	simm.s32 $_tile_overlayer_lowered  }
0x9b: {  	s22 =	simm.s32 $0x1BFF;
	s21 =	sshll.u32 s6, $0x1;
	s3 =	sadd.s32 s4, s19  }
0x9c: {  	s7 =	simm.s32 $0x0;
	s20 =	sshll.u32 s5, $0x1;
	s5 =	sadd.s32 s21, s3  }
0x9d: {  	[timem:s7], [sflag:s22] =	dma.local [hbm:s5], s20  }
0x9e: {  	_ =	swait.ge [sflag:s22], s20  }
0x9f: {  	s4 =	ssub.s32 $0x0, s20;
	[sflag:s22] =	ssyncset.done $0x0  }
0xa0: {  	[sflag:s22] =	ssyncadd.s32 s4;
	_ =	sdelay $0x1  }
0xa1: {  	s23 =	simm.s32 $0x1B8B  }
0xa2: {  	_ =	swait.ge [sflag:s23], $0x1  }
0xa3: {  	[sflag:s23] =	ssyncset.done $0x0  }
0xa4: {  	s25 =	simm.s32 $0x1B8E;
	s24 =	sld [smem:$0x3FFE];
	[sflag:s23] =	ssyncadd.s32 $0xFFFFFFFF  }
0xa5: {  	s26 =	simm.s32 $execute0_lowered;
	[smem:$0x3FD2] =	sst s25  }
0xa6: {  	s5 =	sshll.u32 s26, $0x1;
	_ =	strace $0x80000049;
	[dreg:$0x1] =	wrdreg $0xFFFFFFFF  }
0xa7: {  	s28 =	simm.s32 $_size_execute0_lowered;
	s3 =	sadd.s32 s3, s5;
	[dreg:$0x0] =	wrdreg $0x0  }
0xa8: {  	s5 =	sshll.u32 s28, $0x1;
	[dreg:$0x2] =	wrdreg s3  }
0xa9: {  	[dreg:$0x3] =	wrdreg s5  }
0xaa: {  	[dreg:$0x4] =	wrdreg $0xC0  }
0xab: {  	_ =	task [dreg:s7], $0x5FFFF  }
0xac: {  	[dreg:$0x1] =	wrdreg $0xFFFFFFFF  }
0xad: {  	[dreg:$0x0] =	wrdreg $0x60  }
0xae: {  	[dreg:$0x2] =	wrdreg s24  }
0xaf: {  	[dreg:$0x3] =	wrdreg s2  }
0xb0: {  	[dreg:$0x4] =	wrdreg $0xE0000  }
0xb1: {  	[dreg:$0x5] =	wrdreg $0x9  }
0xb2: {  	_ =	task.clear_ibuf [dreg:s7], $0x6FFFF;
	_ =	strace $0x90000049  }
0xb3: {  	s29 =	simm.s32 $0x9;
	_ =	strace $0x8000004B  }
0xb4: {  	_ =	swait.ge [sflag:s29], $0x1  }
0xb5: {  	[sflag:s29] =	ssyncadd.s32 $0xFFFFFFFF  }
0xb6: {  	_ =	strace $0x9000004B  }
0xb7: {  	_ =	sfence  }
0xb8: {  	s30 =	sld [smem:$0x0];
	_ =	sdelay $0x2  }
0xb9: {  	s31 =	sshll.u32 s1, $0xD;
	s1 =	sshrl.u32 s1, $0x2  }
0xba: {  	s3 =	sand.u32 $0x4000, s31;
	s1 =	sadd.s32 s1, s30  }
0xbb: {  	s0 =	sor.u32 s3, s0;
	s1 =	sshll.u32 s1, $0x11  }
0xbc: {  	s0 =	sor.u32 s1, s0  }
0xbd: {  	s0 =	sadd.s32 $0x8F2B, s0  }
0xbe: {  	[sflag:s0] =	ssyncadd.remote.s32 $0x1  }
0xbf: {  	_ =	sfence.sel $0xFFFF  }
0xc0: {  	[dreg:$0x0] =	wrdreg $0xFFFFFFFF;
	(pc) =	sbr.abs _section_cstart, $3  }
0xc1: {  	[dreg:$0x1] =	wrdreg $0xFFFFFFFF  }
0xc2: {  	_ =	task.clear_ibuf [dreg:s7], $0x2FFFF;
	_ =	strace $0x9FFFFFFF  }
0xc3: {  	(tm) =	ssettm $0x7FFFFFFF  }
tec
execute0_lowered:
.L_overlay_start_1:
0x0: {  	(tag) =	ssettag $0x1  }
0x1: {  	s7 =	rddreg [dreg:$0x0]  }
0x2: {  	s8 =	rddreg [dreg:$0x1]  }
0x3: {  	s2 =	rddreg [dreg:$0x2];
	s1 =	stileid.u32  }
0x4: {  	s4 =	srdreg.scid;
	s3 =	simm.s32 $0x0;
	s17 =	simm.s32 $0xA000  }
0x5: {  	s18 =	simm.s32 $0x4;
	s19 =	simm.s32 $0x1;
	s20 =	simm.s32 $0x80  }
0x6: {  	s21 =	simm.s32 $0x2;
	s22 =	simm.s32 $0xC000;
	s23 =	simm.s32 $0x3  }
0x7: {  	s24 =	simm.s32 $0x4F80;
	s26 =	simm.s32 $0x9F00;
	s9 =	smul.u32 $0xA00, s1  }
0x8: {  	s28 =	simm.s32 $0x9F80;
	s29 =	simm.s32 $0x0;
	s11 =	smul.u32 $0xA000, s1  }
0x9: {  	s10 =	sand.u32 $0x1, s4;
	[smem:$0x7FF] =	sst s3;
	s15 =	smul.u32 $0x28000, s1  }
0xa: {  	s4 =	sadd.s32 $0x34200, s7;
	s5 =	sadd.s32 $0x48200, s7;
	s6 =	smul.u32 $0xA0000, s10  }
0xb: {  	_ =	strace $0x8000004A;
	s14 =	ssub.s32 $0x2, s10;
	p0 =	seq.s32 s10, $0x1  }
0xc: {  	s12 =	sadd.s32 s9, s7;
	s16 =	sshrl.u32 s14, $0x1;
	s15 =	sshrl.u32 s15, $0x2  }
0xd: {  	s8 =	sadd.s32 s8, s9;
	s25 =	sadd.s32 s11, s2;
	s13 =	sadd.s32 s11, s6  }
.Ltmp0:
0xe: {  	s6 =	sadd.s32 $0x5C200, s7;
	s14 =	ssub.s32 s14, s16;
	(pc) =	sbr.rel .LBB2_1-.Ltmp0, $4  }
0xf: {  	s9 =	sadd.s32 s15, s2;
	s16 =	simm.s32 $0x5000;
	s25 =	sshrl.u32 s25, $0x3  }
0x10: {  	s13 =	sshrl.u32 s13, $0x3;
	s11 =	smax.u32 s14, $0x1;
	s14 =	sadd.s32 $0x6000, s9  }
0x11: {  	s15 =	sadd.s32 $0x8000, s9;
	s13 =	sadd.s32 s13, s7;
	s7 =	sadd.s32 $0x2200, s12  }
0x12: {  	s12 =	sadd.s32 $0x2000, s9;
	s10 =	sadd.s32 $0x5C600, s13;
	s13 =	sadd.s32 $0x4000, s9  }
.LBB2_7:
0x13: {  	[sflag:s18] =	ssyncadd.s32 $0xFFFFE000  }
0x14: {  	_ =	swait.ge [sflag:s21], $0x2000  }
0x15: {  	[sflag:s21] =	ssyncset.done $0x0  }
0x16: {  	[sflag:s21] =	ssyncadd.s32 $0xFFFFE000  }
0x17: {  	[tilespmem:s22], [sflag:$0x3] =	stream.indirect.gather [hbm4b:s5+s20], $0x40, s24, s20, $0xb8;
	[tilespmem:$0x18000] =	vst v63  }
.LBB2_8:
0x18: {  	[spmem:s2] =	stream.indirect.scatter.add.f32 [tilespmem:s17], [sflag:$0x4], $0x40, s26, s20, $0xb8;
	[tilespmem:$0x18000] =	vst v63  }
0x19: {  	_ =	swait.ge [sflag:s18], $0x2000  }
0x1a: {  	[sflag:s18] =	ssyncset.done $0x0  }
0x1b: {  	[sflag:s18] =	ssyncadd.s32 $0xFFFFE000  }
0x1c: {  	_ =	swait.ge [sflag:s23], $0x2000  }
0x1d: {  	[sflag:s23] =	ssyncset.done $0x0  }
0x1e: {  	[sflag:s23] =	ssyncadd.s32 $0xFFFFE000  }
0x1f: {  	[spmem:s2] =	stream.indirect.scatter.add.f32 [tilespmem:s22], [sflag:$0x4], $0x40, s28, s20, $0xb8;
	[tilespmem:$0x18000] =	vst v63  }
0x20: {  	_ =	swait.ge [sflag:s18], $0x2000  }
0x21: {  	s29 =	sadd.s32 $0x1, s29;
	[sflag:s18] =	ssyncset.done $0x0  }
0x22: {  	s0 =	sshll.u32 s1, $0x6;
	p1 =	sne.s32 s29, s11;
	[sflag:s18] =	ssyncadd.s32 $0xFFFFE000  }
.Ltmp1:
0x23: {  	s0 =	sor.u32 $0x1C04, s0;
	[bflag:$0x0] =	sbarrier.arrive $0xFFFF;
	(pc) =	sbr.rel @!p1 .LBB2_9-.Ltmp1, $4  }
0x24: {  	[hbm:s10], [sflag:s0] =	dma.local [spmem:s25], $0x1400  }
0x25: {  	_ =	swait.ge [sflag:s18], $0x1400  }
0x26: {  	[sflag:s18] =	ssyncset.done $0x0  }
0x27: {  	[sflag:s18] =	ssyncadd.s32 $0xFFFFEC00  }
.LBB2_1:
0x28: {  	[tilespmem:s3], [sflag:$0x1] =	stream.linear.gather [hbm4b:s7+s3], $0x5000, $0x38;
	[tilespmem:$0x18000] =	vst v63  }
0x29: {  	_ = 	snop  }
0x2a: {  	[tilespmem:s16], [sflag:$0x1] =	stream.linear.gather [hbm4b:s8+s3], $0x5000, $0x38;
	[tilespmem:$0x18000] =	vst v63  }
0x2b: {  	_ = 	snop  }
0x2c: {  	[tilespmem:s17], [sflag:$0x4] =	stream.linear.gather [hbm4b:s6+s3], $0x2000, $0x38;
	[tilespmem:$0x18000] =	vst v63  }
0x2d: {  	_ =	swait.ge [sflag:s18], $0x2000  }
0x2e: {  	[sflag:s18] =	ssyncset.done $0x0  }
0x2f: {  	[sflag:s18] =	ssyncadd.s32 $0xFFFFE000  }
0x30: {  	[spmem:s9] =	stream.linear.scatter [tilespmem:s17], [sflag:$0x4], $0x2000, $0x38;
	[tilespmem:$0x18000] =	vst v63  }
0x31: {  	_ =	swait.ge [sflag:s18], $0x2000  }
0x32: {  	[sflag:s18] =	ssyncset.done $0x0  }
0x33: {  	[sflag:s18] =	ssyncadd.s32 $0xFFFFE000  }
0x34: {  	[spmem:s12] =	stream.linear.scatter [tilespmem:s17], [sflag:$0x4], $0x2000, $0x38;
	[tilespmem:$0x18000] =	vst v63  }
0x35: {  	_ =	swait.ge [sflag:s18], $0x2000  }
0x36: {  	[sflag:s18] =	ssyncset.done $0x0  }
0x37: {  	[sflag:s18] =	ssyncadd.s32 $0xFFFFE000  }
0x38: {  	[spmem:s13] =	stream.linear.scatter [tilespmem:s17], [sflag:$0x4], $0x2000, $0x38;
	[tilespmem:$0x18000] =	vst v63  }
0x39: {  	_ =	swait.ge [sflag:s18], $0x2000  }
0x3a: {  	[sflag:s18] =	ssyncset.done $0x0  }
0x3b: {  	[sflag:s18] =	ssyncadd.s32 $0xFFFFE000  }
0x3c: {  	[spmem:s14] =	stream.linear.scatter [tilespmem:s17], [sflag:$0x4], $0x2000, $0x38;
	[tilespmem:$0x18000] =	vst v63  }
0x3d: {  	_ =	swait.ge [sflag:s18], $0x2000  }
0x3e: {  	[sflag:s18] =	ssyncset.done $0x0  }
0x3f: {  	[sflag:s18] =	ssyncadd.s32 $0xFFFFE000  }
0x40: {  	[spmem:s15] =	stream.linear.scatter [tilespmem:s17], [sflag:$0x4], $0x2000, $0x38;
	[tilespmem:$0x18000] =	vst v63  }
0x41: {  	_ =	swait.ge [sflag:s18], $0x2000  }
0x42: {  	[sflag:s18] =	ssyncset.done $0x0  }
0x43: {  	[sflag:s18] =	ssyncadd.s32 $0xFFFFE000  }
0x44: {  	_ =	swait.ge [sflag:s19], $0x5000  }
0x45: {  	[sflag:s19] =	ssyncset.done $0x0  }
0x46: {  	[sflag:s19] =	ssyncadd.s32 $0xFFFFB000  }
.Ltmp2:
0x47: {  	_ =	swait.ge [sflag:s19], $0x5000;
	(pc) =	sbr.rel @!p0 .LBB2_2-.Ltmp2, $3  }
0x48: {  	[sflag:s19] =	ssyncset.done $0x0  }
0x49: {  	[sflag:s19] =	ssyncadd.s32 $0xFFFFB000  }
0x4a: {  	[bflag:$0x0] =	sbarrier.arrive $0xFFFF;
	_ =	sdelay $0x1  }
0x4b: {  	s0 =	simm.s32 $0x0  }
0x4c: {  	[tilespmem:s17], [sflag:$0x2] =	stream.indirect.gather [hbm4b:s5+s20], $0x40, s0, s20, $0xb8;
	[tilespmem:$0x18000] =	vst v63  }
0x4d: {  	_ =	swait.ge [sflag:s21], $0x2000  }
0x4e: {  	[sflag:s21] =	ssyncset.done $0x0  }
0x4f: {  	s31 =	simm.s32 $0x80;
	[sflag:s21] =	ssyncadd.s32 $0xFFFFE000  }
0x50: {  	[tilespmem:s22], [sflag:$0x3] =	stream.indirect.gather [hbm4b:s5+s20], $0x40, s31, s20, $0xb8;
	[tilespmem:$0x18000] =	vst v63  }
0x51: {  	s31 =	simm.s32 $0x5000  }
0x52: {  	[spmem:s2] =	stream.indirect.scatter.add.f32 [tilespmem:s17], [sflag:$0x4], $0x40, s31, s20, $0xb8;
	[tilespmem:$0x18000] =	vst v63  }
0x53: {  	_ =	swait.ge [sflag:s18], $0x2000  }
0x54: {  	[sflag:s18] =	ssyncset.done $0x0  }
0x55: {  	[sflag:s18] =	ssyncadd.s32 $0xFFFFE000  }
0x56: {  	_ =	swait.ge [sflag:s23], $0x2000  }
0x57: {  	[sflag:s23] =	ssyncset.done $0x0  }
0x58: {  	s31 =	simm.s32 $0x100;
	[sflag:s23] =	ssyncadd.s32 $0xFFFFE000  }
0x59: {  	[tilespmem:s17], [sflag:$0x2] =	stream.indirect.gather [hbm4b:s5+s20], $0x40, s31, s20, $0xb8;
	[tilespmem:$0x18000] =	vst v63  }
0x5a: {  	s31 =	simm.s32 $0x5080  }
0x5b: {  	[spmem:s2] =	stream.indirect.scatter.add.f32 [tilespmem:s22], [sflag:$0x4], $0x40, s31, s20, $0xb8;
	[tilespmem:$0x18000] =	vst v63  }
0x5c: {  	_ =	swait.ge [sflag:s18], $0x2000  }
0x5d: {  	s30 =	simm.s32 $0x400;
	[sflag:s18] =	ssyncset.done $0x0  }
.LBB2_6:
0x5e: {  	p1 =	sne.s32 s30, $0x13800  }
0x5f: {  	[sflag:s18] =	ssyncadd.s32 $0xFFFFE000;
	s0 =	smov.u32 s30;
	s30 =	sadd.s32 $0x400, s30  }
0x60: {  	_ = 	snop  }
0x61: {  	_ =	swait.ge [sflag:s21], $0x2000  }
0x62: {  	s0 =	sshra.s32 s0, $0x2;
	[sflag:s21] =	ssyncset.done $0x0  }
0x63: {  	s31 =	sadd.s32 $0x80, s0;
	[sflag:s21] =	ssyncadd.s32 $0xFFFFE000  }
0x64: {  	[tilespmem:s22], [sflag:$0x3] =	stream.indirect.gather [hbm4b:s5+s20], $0x40, s31, s20, $0xb8;
	[tilespmem:$0x18000] =	vst v63  }
0x65: {  	s31 =	sadd.s32 $0x5000, s0  }
0x66: {  	[spmem:s2] =	stream.indirect.scatter.add.f32 [tilespmem:s17], [sflag:$0x4], $0x40, s31, s20, $0xb8;
	[tilespmem:$0x18000] =	vst v63  }
0x67: {  	_ =	swait.ge [sflag:s18], $0x2000  }
0x68: {  	[sflag:s18] =	ssyncset.done $0x0  }
0x69: {  	[sflag:s18] =	ssyncadd.s32 $0xFFFFE000  }
0x6a: {  	_ =	swait.ge [sflag:s23], $0x2000  }
0x6b: {  	[sflag:s23] =	ssyncset.done $0x0  }
0x6c: {  	s31 =	sadd.s32 $0x100, s0;
	[sflag:s23] =	ssyncadd.s32 $0xFFFFE000  }
0x6d: {  	[tilespmem:s17], [sflag:$0x2] =	stream.indirect.gather [hbm4b:s5+s20], $0x40, s31, s20, $0xb8;
	[tilespmem:$0x18000] =	vst v63  }
.Ltmp3:
0x6e: {  	_ = 	snop;
	(pc) =	sbr.rel @p1 .LBB2_6-.Ltmp3, $4  }
0x6f: {  	s0 =	sadd.s32 $0x5080, s0  }
0x70: {  	[spmem:s2] =	stream.indirect.scatter.add.f32 [tilespmem:s22], [sflag:$0x4], $0x40, s0, s20, $0xb8;
	[tilespmem:$0x18000] =	vst v63  }
0x71: {  	_ =	swait.ge [sflag:s18], $0x2000  }
0x72: {  	[sflag:s18] =	ssyncset.done $0x0  }
.Ltmp4:
0x73: {  	_ = 	snop;
	(pc) =	sbr.rel .LBB2_7-.Ltmp4, $1  }
0x74: {  	_ =	sdelay $0x3  }
.LBB2_2:
0x75: {  	s30 =	simm.s32 $0x0  }
0x76: {  	[tilespmem:s17], [sflag:$0x2] =	stream.indirect.gather [hbm4b:s4+s20], $0x40, s30, s20, $0xb8;
	[tilespmem:$0x18000] =	vst v63  }
0x77: {  	_ =	swait.ge [sflag:s21], $0x2000  }
0x78: {  	[sflag:s21] =	ssyncset.done $0x0  }
0x79: {  	s30 =	simm.s32 $0x80;
	[sflag:s21] =	ssyncadd.s32 $0xFFFFE000  }
0x7a: {  	[tilespmem:s22], [sflag:$0x3] =	stream.indirect.gather [hbm4b:s4+s20], $0x40, s30, s20, $0xb8;
	[tilespmem:$0x18000] =	vst v63  }
0x7b: {  	s30 =	simm.s32 $0x5000  }
0x7c: {  	[spmem:s2] =	stream.indirect.scatter.add.f32 [tilespmem:s17], [sflag:$0x4], $0x40, s30, s20, $0xb8;
	[tilespmem:$0x18000] =	vst v63  }
0x7d: {  	_ =	swait.ge [sflag:s18], $0x2000  }
0x7e: {  	[sflag:s18] =	ssyncset.done $0x0  }
0x7f: {  	[sflag:s18] =	ssyncadd.s32 $0xFFFFE000  }
0x80: {  	_ =	swait.ge [sflag:s23], $0x2000  }
0x81: {  	[sflag:s23] =	ssyncset.done $0x0  }
0x82: {  	s30 =	simm.s32 $0x100;
	[sflag:s23] =	ssyncadd.s32 $0xFFFFE000  }
0x83: {  	[tilespmem:s17], [sflag:$0x2] =	stream.indirect.gather [hbm4b:s4+s20], $0x40, s30, s20, $0xb8;
	[tilespmem:$0x18000] =	vst v63  }
0x84: {  	s30 =	simm.s32 $0x5080  }
0x85: {  	[spmem:s2] =	stream.indirect.scatter.add.f32 [tilespmem:s22], [sflag:$0x4], $0x40, s30, s20, $0xb8;
	[tilespmem:$0x18000] =	vst v63  }
0x86: {  	_ =	swait.ge [sflag:s18], $0x2000  }
0x87: {  	s30 =	simm.s32 $0x400;
	[sflag:s18] =	ssyncset.done $0x0  }
.LBB2_3:
0x88: {  	p1 =	seq.s32 s30, $0x13800  }
0x89: {  	[sflag:s18] =	ssyncadd.s32 $0xFFFFE000;
	s31 =	smov.u32 s30;
	s30 =	sadd.s32 $0x400, s30  }
0x8a: {  	_ = 	snop  }
0x8b: {  	_ =	swait.ge [sflag:s21], $0x2000  }
0x8c: {  	s31 =	sshra.s32 s31, $0x2;
	[sflag:s21] =	ssyncset.done $0x0  }
0x8d: {  	s0 =	sadd.s32 $0x80, s31;
	[sflag:s21] =	ssyncadd.s32 $0xFFFFE000  }
0x8e: {  	[tilespmem:s22], [sflag:$0x3] =	stream.indirect.gather [hbm4b:s4+s20], $0x40, s0, s20, $0xb8;
	[tilespmem:$0x18000] =	vst v63  }
0x8f: {  	s0 =	sadd.s32 $0x5000, s31  }
0x90: {  	[spmem:s2] =	stream.indirect.scatter.add.f32 [tilespmem:s17], [sflag:$0x4], $0x40, s0, s20, $0xb8;
	[tilespmem:$0x18000] =	vst v63  }
0x91: {  	_ =	swait.ge [sflag:s18], $0x2000  }
0x92: {  	[sflag:s18] =	ssyncset.done $0x0  }
0x93: {  	[sflag:s18] =	ssyncadd.s32 $0xFFFFE000  }
0x94: {  	_ =	swait.ge [sflag:s23], $0x2000  }
0x95: {  	[sflag:s23] =	ssyncset.done $0x0  }
0x96: {  	s0 =	sadd.s32 $0x100, s31;
	[sflag:s23] =	ssyncadd.s32 $0xFFFFE000  }
0x97: {  	[tilespmem:s17], [sflag:$0x2] =	stream.indirect.gather [hbm4b:s4+s20], $0x40, s0, s20, $0xb8;
	[tilespmem:$0x18000] =	vst v63  }
.Ltmp5:
0x98: {  	_ = 	snop;
	(pc) =	sbr.rel @!p1 .LBB2_3-.Ltmp5, $4  }
0x99: {  	s0 =	sadd.s32 $0x5080, s31  }
0x9a: {  	[spmem:s2] =	stream.indirect.scatter.add.f32 [tilespmem:s22], [sflag:$0x4], $0x40, s0, s20, $0xb8;
	[tilespmem:$0x18000] =	vst v63  }
0x9b: {  	_ =	swait.ge [sflag:s18], $0x2000  }
0x9c: {  	[sflag:s18] =	ssyncset.done $0x0  }
.Ltmp6:
0x9d: {  	[sflag:s18] =	ssyncadd.s32 $0xFFFFE000;
	(pc) =	sbr.rel .LBB2_8-.Ltmp6, $4  }
0x9e: {  	_ =	swait.ge [sflag:s21], $0x2000  }
0x9f: {  	[sflag:s21] =	ssyncset.done $0x0  }
0xa0: {  	[sflag:s21] =	ssyncadd.s32 $0xFFFFE000  }
0xa1: {  	[tilespmem:s22], [sflag:$0x3] =	stream.indirect.gather [hbm4b:s4+s20], $0x40, s24, s20, $0xb8;
	[tilespmem:$0x18000] =	vst v63  }
.LBB2_9:
0xa2: {  	_ =	sfence.sel $0x180000  }
0xa3: {  	[bflag:$0x0] =	sbarrier.arrive $0xFFFF  }
0xa4: {  	_ =	strace $0x9000004A  }
0xa5: {  	[bflag:$0x2] =	sbarrier.arrive $0xFFFF  }
0xa6: {  	p0 =	sne.s32 s1, $0x0;
	s0 =	rddreg [dreg:$0x3]  }
0xa7: {  	s0 =	sadd.s32 @!p0 $0x100000, s0  }
0xa8: {  	[sflag:s0] =	ssyncadd.tile.s32 @!p0 $0x1;
	_ =	shalt  }
.Lfunc_end2:
_tile_overlayer_lowered:
.L_overlay_start_2:
0xa9: {  	(tag) =	ssettag $0x2  }
0xaa: {  	s0 =	rddreg [dreg:$0x0];
	s2 =	stileid.u32  }
0xab: {  	s1 =	rddreg [dreg:$0x1];
	p0 =	sne.s32 s2, $0x0  }
0xac: {  	s3 =	rddreg [dreg:$0x2];
	[bflag:$0x3] =	sbarrier.arrive $0xFFFF;
	s2 =	simm.s32 @!p0 $0x1C04  }
0xad: {  	[timem:s3], [sflag:s2] =	dma.local @!p0 [hbm:s0], s1  }
0xae: {  	s0 =	simm.s32 @!p0 $0x4  }
0xaf: {  	_ =	swait.ge @!p0 [sflag:s0], s1  }
0xb0: {  	s1 =	ssub.s32 @!p0 $0x0, s1;
	[sflag:s0] =	ssyncset.done @!p0 $0x0  }
0xb1: {  	[sflag:s0] =	ssyncadd.s32 @!p0 s1  }
0xb2: {  	[bflag:$0x3] =	sbarrier.arrive $0xFFFF  }
0xb3: {  	_ =	shalt  }

// kernel: kernel.15.cloned.1.call-start
scs
__scs_entry_jumppad:
0x0: {  	(pc) =	sbr.rel $0x88, $3  }
0x1: {  	(tag) =	ssettag $0x0;
	lr =	simm.s32 $0x1  }
0x2: {  	[smem:$0x3F9B] =	sst lr;
	_ =	strace $0xD0000000  }
0x3: {  	_ = 	snop  }
0x4: {  	_ = 	snop  }
0x5: {  	_ = 	snop  }
0x6: {  	_ = 	snop  }
0x7: {  	_ = 	snop  }
__scs_overlays_trampoline_lowered:
0x8: {  	[smem:$0x3FAA] =	sst s0  }
0x9: {  	[smem:$0x3FAB] =	sst s1  }
0xa: {  	[smem:$0x3FAC] =	sst s2  }
0xb: {  	[smem:$0x3FAD] =	sst s3  }
0xc: {  	[smem:$0x3FAE] =	sst s4  }
0xd: {  	[smem:$0x3FAF] =	sst s5  }
0xe: {  	[smem:$0x3FB0] =	sst s6  }
0xf: {  	[smem:$0x3FB1] =	sst s7  }
0x10: {  	[smem:$0x3FB2] =	sst s8  }
0x11: {  	[smem:$0x3FB3] =	sst s9;
	s0 =	simm.s32 @!p0 $0x0  }
0x12: {  	s1 =	sld [smem:$0x3F99];
	s0 =	simm.s32 @p0 $0x1  }
0x13: {  	[smem:$0x3FB4] =	sst s0;
	s0 =	simm.s32 @!p1 $0x0  }
0x14: {  	s2 =	sld [smem:$0x3F98];
	s0 =	simm.s32 @p1 $0x1  }
0x15: {  	[smem:$0x3FB5] =	sst s0;
	s0 =	simm.s32 @!p2 $0x0  }
0x16: {  	s3 =	sld [smem:$0x3FDB];
	s0 =	simm.s32 @p2 $0x1  }
0x17: {  	s4 =	simm.s32 $0x1BF5;
	[smem:$0x3FB7] =	sst s0  }
0x18: {  	s0 =	sld [smem:$0x3F9A];
	_ =	swait.ge [sflag:s4], $0x0  }
0x19: {  	s7 =	sld [smem:$0x3F9B]  }
0x1a: {  	s8 =	sadd.s32 $0xFFFFE003, lr  }
0x1b: {  	s9 =	sadd.s32 $0xFFFFFEF7, lr;
	s5 =	simm.s32 $0xFFFFFFFF;
	p2 =	slt.u32 s8, $0xFFFFF086  }
0x1c: {  	p1 =	slt.u32 s9, $0xF7A;
	s5 =	simm.s32 @!p2 $0x0  }
0x1d: {  	s5 =	simm.s32 @p1 $0x1;
	p0 =	seq.s32 s7, s2  }
0x1e: {  	s7 =	smul.u32 @!p0 $0xF7A, s2;
	p2 =	seq.s32 @!p0 s5, $0x0  }
0x1f: {  	s9 =	smul.u32 $0xF7A, s1;
	s8 =	simm.s32 @!p0 $0x1BF5;
	p2 =	por !p2, p0  }
0x20: {  	[sflag:s8] =	ssyncset.s32 @!p0 $0xFFFFF086;
	s6 =	sadd.s32 @!p0 s3, s7;
	s7 =	simm.s32 @!p0 $0x108  }
0x21: {  	s3 =	sadd.s32 s3, s9;
	s6 =	sadd.s32 @!p0 $0x88, s6;
	s7 =	simm.s32 @p2 $0x1082  }
0x22: {  	[simem:s7], [sflag:s8] =	dma.local @!p0 [hbm:s6], $0xF7A  }
0x23: {  	s9 =	sor.u32 $0xD0000000, s2;
	s6 =	simm.s32 $0x108;
	_ =	swait.ge @!p0 [sflag:s8], $0x0  }
0x24: {  	s3 =	sadd.s32 $0x88, s3;
	s6 =	simm.s32 @!p1 $0x1082;
	[sflag:s4] =	ssyncset.s32 $0xFFFFF086  }
0x25: {  	[simem:s6], [sflag:s4] =	dma.local [hbm:s3], $0xF7A  }
0x26: {  	[smem:$0x3F9B] =	sst s1;
	(tag) =	ssettag s2;
	_ =	strace s9  }
0x27: {  	s1 =	sld [smem:$0x3FAB]  }
0x28: {  	s2 =	sld [smem:$0x3FAC]  }
0x29: {  	s4 =	sld [smem:$0x3FAE]  }
0x2a: {  	p0 =	seq.s32 s5, $0x0;
	s5 =	sld [smem:$0x3FAF]  }
0x2b: {  	s6 =	sld [smem:$0x3FB0]  }
0x2c: {  	s7 =	sld [smem:$0x3FB1]  }
0x2d: {  	s3 =	simm.s32 $0x108;
	s8 =	sld [smem:$0x3FB2]  }
0x2e: {  	s3 =	simm.s32 @!p0 $0x1082;
	s9 =	sld [smem:$0x3FB3]  }
0x2f: {  	lr =	sadd.s32 s0, s3;
	s0 =	sld [smem:$0x3FAA]  }
0x30: {  	s3 =	sld [smem:$0x3FAD]  }
0x31: {  	[smem:$0x3FB6] =	sst s10  }
0x32: {  	s10 =	sld [smem:$0x3FB4];
	_ =	sdelay $0x3  }
0x33: {  	p0 =	seq.s32 s10, $0x1;
	s10 =	sld [smem:$0x3FB6];
	_ =	sdelay $0x3  }
0x34: {  	[smem:$0x3FB6] =	sst s10  }
0x35: {  	s10 =	sld [smem:$0x3FB5];
	_ =	sdelay $0x3  }
0x36: {  	p1 =	seq.s32 s10, $0x1;
	s10 =	sld [smem:$0x3FB6];
	_ =	sdelay $0x3  }
0x37: {  	[smem:$0x3FB6] =	sst s10  }
0x38: {  	s10 =	sld [smem:$0x3FB7]  }
0x39: {  	_ = 	snop;
	(pc) =	sbr.ind lr, $3  }
0x3a: {  	_ = 	snop  }
0x3b: {  	_ = 	snop  }
0x3c: {  	p2 =	seq.s32 s10, $0x1;
	s10 =	sld [smem:$0x3FB6]  }
0x3d: {  	_ =	shalt  }
0x3e: {  	_ =	shalt  }
0x3f: {  	_ =	shalt  }
0x40: {  	_ =	shalt  }
0x41: {  	_ =	shalt  }
0x42: {  	_ =	shalt  }
0x43: {  	_ =	shalt  }
0x44: {  	_ =	shalt  }
0x45: {  	_ =	shalt  }
0x46: {  	_ =	shalt  }
0x47: {  	_ =	shalt  }
0x48: {  	_ =	shalt  }
0x49: {  	_ =	shalt  }
0x4a: {  	_ =	shalt  }
0x4b: {  	_ =	shalt  }
0x4c: {  	_ =	shalt  }
0x4d: {  	_ =	shalt  }
0x4e: {  	_ =	shalt  }
0x4f: {  	_ =	shalt  }
0x50: {  	_ =	shalt  }
0x51: {  	_ =	shalt  }
0x52: {  	_ =	shalt  }
0x53: {  	_ =	shalt  }
0x54: {  	_ =	shalt  }
0x55: {  	_ =	shalt  }
0x56: {  	_ =	shalt  }
0x57: {  	_ =	shalt  }
0x58: {  	_ =	shalt  }
0x59: {  	_ =	shalt  }
0x5a: {  	_ =	shalt  }
0x5b: {  	_ =	shalt  }
0x5c: {  	_ =	shalt  }
0x5d: {  	_ =	shalt  }
0x5e: {  	_ =	shalt  }
0x5f: {  	_ =	shalt  }
0x60: {  	_ =	shalt  }
0x61: {  	_ =	shalt  }
0x62: {  	_ =	shalt  }
0x63: {  	_ =	shalt  }
0x64: {  	_ =	shalt  }
0x65: {  	_ =	shalt  }
0x66: {  	_ =	shalt  }
0x67: {  	_ =	shalt  }
0x68: {  	_ =	shalt  }
0x69: {  	_ =	shalt  }
0x6a: {  	_ =	shalt  }
0x6b: {  	_ =	shalt  }
0x6c: {  	_ =	shalt  }
0x6d: {  	_ =	shalt  }
0x6e: {  	_ =	shalt  }
0x6f: {  	_ =	shalt  }
0x70: {  	_ =	shalt  }
0x71: {  	_ =	shalt  }
0x72: {  	_ =	shalt  }
0x73: {  	_ =	shalt  }
0x74: {  	_ =	shalt  }
0x75: {  	_ =	shalt  }
0x76: {  	_ =	shalt  }
0x77: {  	_ =	shalt  }
0x78: {  	_ =	shalt  }
0x79: {  	_ =	shalt  }
0x7a: {  	_ =	shalt  }
0x7b: {  	_ =	shalt  }
0x7c: {  	_ =	shalt  }
0x7d: {  	_ =	shalt  }
0x7e: {  	_ =	shalt  }
0x7f: {  	_ =	shalt  }
0x80: {  	_ =	shalt  }
0x81: {  	_ =	shalt  }
0x82: {  	_ =	shalt  }
0x83: {  	_ =	shalt  }
0x84: {  	_ =	shalt  }
0x85: {  	_ =	shalt  }
0x86: {  	_ =	shalt  }
0x87: {  	_ =	shalt  }
.Lfunc_end0:
.L_simem_size_0:
called_computation.2_lowered:
.L_overlay_start_0:
0x88: {  	s2 =	sld [smem:$0x3FD9]  }
0x89: {  	s3 =	sld [smem:$0x3FFE];
	_ =	sdelay $0x1  }
0x8a: {  	s1 =	srdreg.scid  }
0x8b: {  	s0 =	sand.u32 $0x1, s1  }
0x8c: {  	s17 =	sshll.u32 s0, $0xA;
	s2 =	sadd.s32 s3, s2  }
0x8d: {  	s2 =	sadd.s32 s2, s17  }
0x8e: {  	[smem:$0x3FC2] =	sst s2  }
0x8f: {  	_ = 	snop  }
0x90: {  	s2 =	sld [smem:$0x3FD0];
	(tm) =	ssettm $0x1  }
0x91: {  	s18 =	sld [smem:$0x3FFB];
	_ =	sdelay $0x3  }
0x92: {  	_ =	strace s18  }
0x93: {  	s3 =	sld [smem:$0x3FFC];
	_ =	sdelay $0x3  }
0x94: {  	_ =	strace s3  }
0x95: {  	s3 =	sld [smem:$0x3FFD];
	_ =	sdelay $0x3  }
0x96: {  	_ =	strace s3  }
0x97: {  	_ =	strace $0x8FFFFFFF  }
0x98: {  	s19 =	sld [smem:$0x3FDB];
	_ =	sdelay $0x1  }
0x99: {  	s4 =	simm.s32 $_scs_section_size  }
0x9a: {  	s5 =	simm.s32 $_size__tile_overlayer_lowered;
	s6 =	simm.s32 $_tile_overlayer_lowered  }
0x9b: {  	s22 =	simm.s32 $0x1BFF;
	s21 =	sshll.u32 s6, $0x1;
	s3 =	sadd.s32 s4, s19  }
0x9c: {  	s7 =	simm.s32 $0x0;
	s20 =	sshll.u32 s5, $0x1;
	s5 =	sadd.s32 s21, s3  }
0x9d: {  	[timem:s7], [sflag:s22] =	dma.local [hbm:s5], s20  }
0x9e: {  	_ =	swait.ge [sflag:s22], s20  }
0x9f: {  	s4 =	ssub.s32 $0x0, s20;
	[sflag:s22] =	ssyncset.done $0x0  }
0xa0: {  	[sflag:s22] =	ssyncadd.s32 s4;
	_ =	sdelay $0x1  }
0xa1: {  	s23 =	simm.s32 $0x1B8B  }
0xa2: {  	_ =	swait.ge [sflag:s23], $0x1  }
0xa3: {  	[sflag:s23] =	ssyncset.done $0x0  }
0xa4: {  	s25 =	simm.s32 $0x1B8E;
	s24 =	sld [smem:$0x3FFE];
	[sflag:s23] =	ssyncadd.s32 $0xFFFFFFFF  }
0xa5: {  	s26 =	simm.s32 $execute0_lowered;
	[smem:$0x3FD2] =	sst s25  }
0xa6: {  	s5 =	sshll.u32 s26, $0x1;
	_ =	strace $0x8000004C;
	[dreg:$0x1] =	wrdreg $0xFFFFFFFF  }
0xa7: {  	s28 =	simm.s32 $_size_execute0_lowered;
	s3 =	sadd.s32 s3, s5;
	[dreg:$0x0] =	wrdreg $0x0  }
0xa8: {  	s5 =	sshll.u32 s28, $0x1;
	[dreg:$0x2] =	wrdreg s3  }
0xa9: {  	[dreg:$0x3] =	wrdreg s5  }
0xaa: {  	[dreg:$0x4] =	wrdreg $0xC0  }
0xab: {  	_ =	task [dreg:s7], $0x5FFFF  }
0xac: {  	[dreg:$0x1] =	wrdreg $0xFFFFFFFF  }
0xad: {  	[dreg:$0x0] =	wrdreg $0x60  }
0xae: {  	[dreg:$0x2] =	wrdreg s24  }
0xaf: {  	[dreg:$0x3] =	wrdreg s2  }
0xb0: {  	[dreg:$0x4] =	wrdreg $0x90000  }
0xb1: {  	[dreg:$0x5] =	wrdreg $0x9  }
0xb2: {  	_ =	task.clear_ibuf [dreg:s7], $0x6FFFF;
	_ =	strace $0x9000004C  }
0xb3: {  	s29 =	simm.s32 $0x9;
	_ =	strace $0x8000004E  }
0xb4: {  	_ =	swait.ge [sflag:s29], $0x1  }
0xb5: {  	[sflag:s29] =	ssyncadd.s32 $0xFFFFFFFF  }
0xb6: {  	_ =	strace $0x9000004E  }
0xb7: {  	_ =	sfence  }
0xb8: {  	s30 =	sld [smem:$0x0];
	_ =	sdelay $0x2  }
0xb9: {  	s31 =	sshll.u32 s1, $0xD;
	s1 =	sshrl.u32 s1, $0x2  }
0xba: {  	s3 =	sand.u32 $0x4000, s31;
	s1 =	sadd.s32 s1, s30  }
0xbb: {  	s0 =	sor.u32 s3, s0;
	s1 =	sshll.u32 s1, $0x11  }
0xbc: {  	s0 =	sor.u32 s1, s0  }
0xbd: {  	s0 =	sadd.s32 $0x8F2B, s0  }
0xbe: {  	[sflag:s0] =	ssyncadd.remote.s32 $0x1  }
0xbf: {  	_ =	sfence.sel $0xFFFF  }
0xc0: {  	[dreg:$0x0] =	wrdreg $0xFFFFFFFF;
	(pc) =	sbr.abs _section_cstart, $3  }
0xc1: {  	[dreg:$0x1] =	wrdreg $0xFFFFFFFF  }
0xc2: {  	_ =	task.clear_ibuf [dreg:s7], $0x2FFFF;
	_ =	strace $0x9FFFFFFF  }
0xc3: {  	(tm) =	ssettm $0x7FFFFFFF  }
tec
execute0_lowered:
.L_overlay_start_1:
0x0: {  	(tag) =	ssettag $0x1  }
0x1: {  	s1 =	srdreg.scid;
	s6 =	rddreg [dreg:$0x0]  }
0x2: {  	s0 =	stileid.u32;
	s7 =	rddreg [dreg:$0x1]  }
0x3: {  	s2 =	rddreg [dreg:$0x2];
	s3 =	simm.s32 $0x0;
	s15 =	simm.s32 $0x2800  }
0x4: {  	s16 =	simm.s32 $0x5000;
	s17 =	simm.s32 $0x4;
	s18 =	simm.s32 $0x1  }
0x5: {  	s19 =	simm.s32 $0x80;
	s20 =	simm.s32 $0x2;
	s21 =	simm.s32 $0x7000  }
0x6: {  	s22 =	simm.s32 $0x3;
	s23 =	simm.s32 $0x2780;
	s24 =	simm.s32 $0x4F00  }
0x7: {  	s26 =	simm.s32 $0x4F80;
	s28 =	simm.s32 $0x0;
	s5 =	sand.u32 $0x1, s1  }
0x8: {  	s30 =	sshll.u32 s0, $0x1;
	[smem:$0x7FF] =	sst s3;
	s10 =	smul.u32 $0xA000, s0  }
0x9: {  	s4 =	sadd.s32 $0xC200, s6;
	s14 =	smul.u32 $0x28000, s0;
	s1 =	sor.u32 s5, s30  }
0xa: {  	s9 =	smul.u32 $0xA0000, s5;
	s12 =	ssub.s32 $0x2, s5;
	s5 =	sadd.s32 $0x5C200, s6  }
0xb: {  	s8 =	smul.u32 $0x500, s1;
	s1 =	rddreg [dreg:$0x3];
	_ =	strace $0x8000004D  }
0xc: {  	s13 =	sshrl.u32 s12, $0x1;
	s31 =	sshrl.u32 s14, $0x2;
	s25 =	sadd.s32 s10, s2  }
0xd: {  	s9 =	sadd.s32 s10, s9;
	s12 =	ssub.s32 s12, s13;
	s25 =	sshrl.u32 s25, $0x3  }
0xe: {  	s11 =	sadd.s32 s8, s6;
	s9 =	sshrl.u32 s9, $0x3;
	s7 =	sadd.s32 s7, s8  }
0xf: {  	s8 =	sadd.s32 s31, s2;
	s10 =	smax.u32 s12, $0x1;
	s9 =	sadd.s32 s9, s6  }
0x10: {  	s6 =	sadd.s32 $0x2200, s11;
	s11 =	sadd.s32 $0x2000, s8;
	s12 =	sadd.s32 $0x4000, s8  }
0x11: {  	s13 =	sadd.s32 $0x6000, s8;
	s14 =	sadd.s32 $0x8000, s8;
	s9 =	sadd.s32 $0x20200, s9  }
.LBB2_1:
0x12: {  	[tilespmem:s3], [sflag:$0x1] =	stream.linear.gather [hbm4b:s6+s3], $0x2800, $0x38;
	[tilespmem:$0x13000] =	vst v63  }
0x13: {  	_ = 	snop  }
0x14: {  	[tilespmem:s15], [sflag:$0x1] =	stream.linear.gather [hbm4b:s7+s3], $0x2800, $0x38;
	[tilespmem:$0x13000] =	vst v63  }
0x15: {  	_ = 	snop  }
0x16: {  	[tilespmem:s16], [sflag:$0x4] =	stream.linear.gather [hbm4b:s5+s3], $0x2000, $0x38;
	[tilespmem:$0x13000] =	vst v63  }
0x17: {  	_ =	swait.ge [sflag:s17], $0x2000  }
0x18: {  	[sflag:s17] =	ssyncset.done $0x0  }
0x19: {  	[sflag:s17] =	ssyncadd.s32 $0xFFFFE000  }
0x1a: {  	[spmem:s8] =	stream.linear.scatter [tilespmem:s16], [sflag:$0x4], $0x2000, $0x38;
	[tilespmem:$0x13000] =	vst v63  }
0x1b: {  	_ =	swait.ge [sflag:s17], $0x2000  }
0x1c: {  	[sflag:s17] =	ssyncset.done $0x0  }
0x1d: {  	[sflag:s17] =	ssyncadd.s32 $0xFFFFE000  }
0x1e: {  	[spmem:s11] =	stream.linear.scatter [tilespmem:s16], [sflag:$0x4], $0x2000, $0x38;
	[tilespmem:$0x13000] =	vst v63  }
0x1f: {  	_ =	swait.ge [sflag:s17], $0x2000  }
0x20: {  	[sflag:s17] =	ssyncset.done $0x0  }
0x21: {  	[sflag:s17] =	ssyncadd.s32 $0xFFFFE000  }
0x22: {  	[spmem:s12] =	stream.linear.scatter [tilespmem:s16], [sflag:$0x4], $0x2000, $0x38;
	[tilespmem:$0x13000] =	vst v63  }
0x23: {  	_ =	swait.ge [sflag:s17], $0x2000  }
0x24: {  	[sflag:s17] =	ssyncset.done $0x0  }
0x25: {  	[sflag:s17] =	ssyncadd.s32 $0xFFFFE000  }
0x26: {  	[spmem:s13] =	stream.linear.scatter [tilespmem:s16], [sflag:$0x4], $0x2000, $0x38;
	[tilespmem:$0x13000] =	vst v63  }
0x27: {  	_ =	swait.ge [sflag:s17], $0x2000  }
0x28: {  	[sflag:s17] =	ssyncset.done $0x0  }
0x29: {  	[sflag:s17] =	ssyncadd.s32 $0xFFFFE000  }
0x2a: {  	[spmem:s14] =	stream.linear.scatter [tilespmem:s16], [sflag:$0x4], $0x2000, $0x38;
	[tilespmem:$0x13000] =	vst v63  }
0x2b: {  	_ =	swait.ge [sflag:s17], $0x2000  }
0x2c: {  	[sflag:s17] =	ssyncset.done $0x0  }
0x2d: {  	[sflag:s17] =	ssyncadd.s32 $0xFFFFE000  }
0x2e: {  	_ =	swait.ge [sflag:s18], $0x2800  }
0x2f: {  	[sflag:s18] =	ssyncset.done $0x0  }
0x30: {  	[sflag:s18] =	ssyncadd.s32 $0xFFFFD800  }
0x31: {  	_ =	swait.ge [sflag:s18], $0x2800  }
0x32: {  	[sflag:s18] =	ssyncset.done $0x0  }
0x33: {  	[sflag:s18] =	ssyncadd.s32 $0xFFFFD800  }
0x34: {  	[bflag:$0x0] =	sbarrier.arrive $0xFFFF  }
0x35: {  	[tilespmem:s16], [sflag:$0x2] =	stream.indirect.gather [hbm4b:s4+s19], $0x40, s3, s19, $0xb8;
	[tilespmem:$0x13000] =	vst v63  }
0x36: {  	_ =	swait.ge [sflag:s20], $0x2000  }
0x37: {  	[sflag:s20] =	ssyncset.done $0x0  }
0x38: {  	s29 =	simm.s32 $0x80;
	[sflag:s20] =	ssyncadd.s32 $0xFFFFE000  }
0x39: {  	[tilespmem:s21], [sflag:$0x3] =	stream.indirect.gather [hbm4b:s4+s19], $0x40, s29, s19, $0xb8;
	[tilespmem:$0x13000] =	vst v63  }
0x3a: {  	s29 =	simm.s32 $0x2800  }
0x3b: {  	[spmem:s2] =	stream.indirect.scatter.add.f32 [tilespmem:s16], [sflag:$0x4], $0x40, s29, s19, $0xb8;
	[tilespmem:$0x13000] =	vst v63  }
0x3c: {  	_ =	swait.ge [sflag:s17], $0x2000  }
0x3d: {  	[sflag:s17] =	ssyncset.done $0x0  }
0x3e: {  	[sflag:s17] =	ssyncadd.s32 $0xFFFFE000  }
0x3f: {  	_ =	swait.ge [sflag:s22], $0x2000  }
0x40: {  	[sflag:s22] =	ssyncset.done $0x0  }
0x41: {  	s29 =	simm.s32 $0x100;
	[sflag:s22] =	ssyncadd.s32 $0xFFFFE000  }
0x42: {  	[tilespmem:s16], [sflag:$0x2] =	stream.indirect.gather [hbm4b:s4+s19], $0x40, s29, s19, $0xb8;
	[tilespmem:$0x13000] =	vst v63  }
0x43: {  	s29 =	simm.s32 $0x2880  }
0x44: {  	[spmem:s2] =	stream.indirect.scatter.add.f32 [tilespmem:s21], [sflag:$0x4], $0x40, s29, s19, $0xb8;
	[tilespmem:$0x13000] =	vst v63  }
0x45: {  	_ =	swait.ge [sflag:s17], $0x2000  }
0x46: {  	s29 =	simm.s32 $0x400;
	[sflag:s17] =	ssyncset.done $0x0  }
.LBB2_2:
0x47: {  	p0 =	sne.s32 s29, $0x9800  }
0x48: {  	[sflag:s17] =	ssyncadd.s32 $0xFFFFE000;
	s30 =	smov.u32 s29;
	s29 =	sadd.s32 $0x400, s29  }
0x49: {  	_ = 	snop  }
0x4a: {  	_ =	swait.ge [sflag:s20], $0x2000  }
0x4b: {  	s30 =	sshra.s32 s30, $0x2;
	[sflag:s20] =	ssyncset.done $0x0  }
0x4c: {  	s31 =	sadd.s32 $0x80, s30;
	[sflag:s20] =	ssyncadd.s32 $0xFFFFE000  }
0x4d: {  	[tilespmem:s21], [sflag:$0x3] =	stream.indirect.gather [hbm4b:s4+s19], $0x40, s31, s19, $0xb8;
	[tilespmem:$0x13000] =	vst v63  }
0x4e: {  	s31 =	sadd.s32 $0x2800, s30  }
0x4f: {  	[spmem:s2] =	stream.indirect.scatter.add.f32 [tilespmem:s16], [sflag:$0x4], $0x40, s31, s19, $0xb8;
	[tilespmem:$0x13000] =	vst v63  }
0x50: {  	_ =	swait.ge [sflag:s17], $0x2000  }
0x51: {  	[sflag:s17] =	ssyncset.done $0x0  }
0x52: {  	[sflag:s17] =	ssyncadd.s32 $0xFFFFE000  }
0x53: {  	_ =	swait.ge [sflag:s22], $0x2000  }
0x54: {  	[sflag:s22] =	ssyncset.done $0x0  }
0x55: {  	s31 =	sadd.s32 $0x100, s30;
	[sflag:s22] =	ssyncadd.s32 $0xFFFFE000  }
0x56: {  	[tilespmem:s16], [sflag:$0x2] =	stream.indirect.gather [hbm4b:s4+s19], $0x40, s31, s19, $0xb8;
	[tilespmem:$0x13000] =	vst v63  }
.Ltmp0:
0x57: {  	_ = 	snop;
	(pc) =	sbr.rel @p0 .LBB2_2-.Ltmp0, $4  }
0x58: {  	s30 =	sadd.s32 $0x2880, s30  }
0x59: {  	[spmem:s2] =	stream.indirect.scatter.add.f32 [tilespmem:s21], [sflag:$0x4], $0x40, s30, s19, $0xb8;
	[tilespmem:$0x13000] =	vst v63  }
0x5a: {  	_ =	swait.ge [sflag:s17], $0x2000  }
0x5b: {  	[sflag:s17] =	ssyncset.done $0x0  }
0x5c: {  	[sflag:s17] =	ssyncadd.s32 $0xFFFFE000  }
0x5d: {  	_ =	swait.ge [sflag:s20], $0x2000  }
0x5e: {  	[sflag:s20] =	ssyncset.done $0x0  }
0x5f: {  	[sflag:s20] =	ssyncadd.s32 $0xFFFFE000  }
0x60: {  	[tilespmem:s21], [sflag:$0x3] =	stream.indirect.gather [hbm4b:s4+s19], $0x40, s23, s19, $0xb8;
	[tilespmem:$0x13000] =	vst v63  }
0x61: {  	_ = 	snop  }
0x62: {  	[spmem:s2] =	stream.indirect.scatter.add.f32 [tilespmem:s16], [sflag:$0x4], $0x40, s24, s19, $0xb8;
	[tilespmem:$0x13000] =	vst v63  }
0x63: {  	_ =	swait.ge [sflag:s17], $0x2000  }
0x64: {  	[sflag:s17] =	ssyncset.done $0x0  }
0x65: {  	[sflag:s17] =	ssyncadd.s32 $0xFFFFE000  }
0x66: {  	_ =	swait.ge [sflag:s22], $0x2000  }
0x67: {  	[sflag:s22] =	ssyncset.done $0x0  }
0x68: {  	[sflag:s22] =	ssyncadd.s32 $0xFFFFE000  }
0x69: {  	[spmem:s2] =	stream.indirect.scatter.add.f32 [tilespmem:s21], [sflag:$0x4], $0x40, s26, s19, $0xb8;
	[tilespmem:$0x13000] =	vst v63  }
0x6a: {  	_ =	swait.ge [sflag:s17], $0x2000  }
0x6b: {  	s28 =	sadd.s32 $0x1, s28;
	[sflag:s17] =	ssyncset.done $0x0  }
0x6c: {  	s29 =	sshll.u32 s0, $0x6;
	p0 =	sne.s32 s28, s10;
	[sflag:s17] =	ssyncadd.s32 $0xFFFFE000  }
.Ltmp1:
0x6d: {  	s29 =	sor.u32 $0x1C04, s29;
	[bflag:$0x0] =	sbarrier.arrive $0xFFFF;
	(pc) =	sbr.rel @p0 .LBB2_1-.Ltmp1, $4  }
0x6e: {  	[hbm:s9], [sflag:s29] =	dma.local [spmem:s25], $0x1400  }
0x6f: {  	_ =	swait.ge [sflag:s17], $0x1400  }
0x70: {  	[sflag:s17] =	ssyncset.done $0x0  }
0x71: {  	[sflag:s17] =	ssyncadd.s32 $0xFFFFEC00  }
0x72: {  	_ =	sfence.sel $0x180000  }
0x73: {  	[bflag:$0x0] =	sbarrier.arrive $0xFFFF  }
0x74: {  	p0 =	sne.s32 s0, $0x0;
	_ =	strace $0x9000004D  }
0x75: {  	s0 =	sadd.s32 @!p0 $0x100000, s1;
	[bflag:$0x2] =	sbarrier.arrive $0xFFFF  }
0x76: {  	[sflag:s0] =	ssyncadd.tile.s32 @!p0 $0x1;
	_ =	shalt  }
.Lfunc_end2:
_tile_overlayer_lowered:
.L_overlay_start_2:
0x77: {  	(tag) =	ssettag $0x2  }
0x78: {  	s0 =	rddreg [dreg:$0x0];
	s2 =	stileid.u32  }
0x79: {  	s1 =	rddreg [dreg:$0x1];
	p0 =	sne.s32 s2, $0x0  }
0x7a: {  	s3 =	rddreg [dreg:$0x2];
	[bflag:$0x3] =	sbarrier.arrive $0xFFFF;
	s2 =	simm.s32 @!p0 $0x1C04  }
0x7b: {  	[timem:s3], [sflag:s2] =	dma.local @!p0 [hbm:s0], s1  }
0x7c: {  	s0 =	simm.s32 @!p0 $0x4  }
0x7d: {  	_ =	swait.ge @!p0 [sflag:s0], s1  }
0x7e: {  	s1 =	ssub.s32 @!p0 $0x0, s1;
	[sflag:s0] =	ssyncset.done @!p0 $0x0  }
0x7f: {  	[sflag:s0] =	ssyncadd.s32 @!p0 s1  }
0x80: {  	[bflag:$0x3] =	sbarrier.arrive $0xFFFF  }
0x81: {  	_ =	shalt  }

// kernel: kernel.9.cloned.1.call-start
scs
__scs_entry_jumppad:
0x0: {  	(pc) =	sbr.rel $0x88, $3  }
0x1: {  	(tag) =	ssettag $0x0;
	lr =	simm.s32 $0x1  }
0x2: {  	[smem:$0x3F9B] =	sst lr;
	_ =	strace $0xD0000000  }
0x3: {  	_ = 	snop  }
0x4: {  	_ = 	snop  }
0x5: {  	_ = 	snop  }
0x6: {  	_ = 	snop  }
0x7: {  	_ = 	snop  }
__scs_overlays_trampoline_lowered:
0x8: {  	[smem:$0x3FAA] =	sst s0  }
0x9: {  	[smem:$0x3FAB] =	sst s1  }
0xa: {  	[smem:$0x3FAC] =	sst s2  }
0xb: {  	[smem:$0x3FAD] =	sst s3  }
0xc: {  	[smem:$0x3FAE] =	sst s4  }
0xd: {  	[smem:$0x3FAF] =	sst s5  }
0xe: {  	[smem:$0x3FB0] =	sst s6  }
0xf: {  	[smem:$0x3FB1] =	sst s7  }
0x10: {  	[smem:$0x3FB2] =	sst s8  }
0x11: {  	[smem:$0x3FB3] =	sst s9;
	s0 =	simm.s32 @!p0 $0x0  }
0x12: {  	s1 =	sld [smem:$0x3F99];
	s0 =	simm.s32 @p0 $0x1  }
0x13: {  	[smem:$0x3FB4] =	sst s0;
	s0 =	simm.s32 @!p1 $0x0  }
0x14: {  	s2 =	sld [smem:$0x3F98];
	s0 =	simm.s32 @p1 $0x1  }
0x15: {  	[smem:$0x3FB5] =	sst s0;
	s0 =	simm.s32 @!p2 $0x0  }
0x16: {  	s3 =	sld [smem:$0x3FDB];
	s0 =	simm.s32 @p2 $0x1  }
0x17: {  	s4 =	simm.s32 $0x1BF5;
	[smem:$0x3FB7] =	sst s0  }
0x18: {  	s0 =	sld [smem:$0x3F9A];
	_ =	swait.ge [sflag:s4], $0x0  }
0x19: {  	s7 =	sld [smem:$0x3F9B]  }
0x1a: {  	s8 =	sadd.s32 $0xFFFFE003, lr  }
0x1b: {  	s9 =	sadd.s32 $0xFFFFFEF7, lr;
	s5 =	simm.s32 $0xFFFFFFFF;
	p2 =	slt.u32 s8, $0xFFFFF086  }
0x1c: {  	p1 =	slt.u32 s9, $0xF7A;
	s5 =	simm.s32 @!p2 $0x0  }
0x1d: {  	s5 =	simm.s32 @p1 $0x1;
	p0 =	seq.s32 s7, s2  }
0x1e: {  	s7 =	smul.u32 @!p0 $0xF7A, s2;
	p2 =	seq.s32 @!p0 s5, $0x0  }
0x1f: {  	s9 =	smul.u32 $0xF7A, s1;
	s8 =	simm.s32 @!p0 $0x1BF5;
	p2 =	por !p2, p0  }
0x20: {  	[sflag:s8] =	ssyncset.s32 @!p0 $0xFFFFF086;
	s6 =	sadd.s32 @!p0 s3, s7;
	s7 =	simm.s32 @!p0 $0x108  }
0x21: {  	s3 =	sadd.s32 s3, s9;
	s6 =	sadd.s32 @!p0 $0x88, s6;
	s7 =	simm.s32 @p2 $0x1082  }
0x22: {  	[simem:s7], [sflag:s8] =	dma.local @!p0 [hbm:s6], $0xF7A  }
0x23: {  	s9 =	sor.u32 $0xD0000000, s2;
	s6 =	simm.s32 $0x108;
	_ =	swait.ge @!p0 [sflag:s8], $0x0  }
0x24: {  	s3 =	sadd.s32 $0x88, s3;
	s6 =	simm.s32 @!p1 $0x1082;
	[sflag:s4] =	ssyncset.s32 $0xFFFFF086  }
0x25: {  	[simem:s6], [sflag:s4] =	dma.local [hbm:s3], $0xF7A  }
0x26: {  	[smem:$0x3F9B] =	sst s1;
	(tag) =	ssettag s2;
	_ =	strace s9  }
0x27: {  	s1 =	sld [smem:$0x3FAB]  }
0x28: {  	s2 =	sld [smem:$0x3FAC]  }
0x29: {  	s4 =	sld [smem:$0x3FAE]  }
0x2a: {  	p0 =	seq.s32 s5, $0x0;
	s5 =	sld [smem:$0x3FAF]  }
0x2b: {  	s6 =	sld [smem:$0x3FB0]  }
0x2c: {  	s7 =	sld [smem:$0x3FB1]  }
0x2d: {  	s3 =	simm.s32 $0x108;
	s8 =	sld [smem:$0x3FB2]  }
0x2e: {  	s3 =	simm.s32 @!p0 $0x1082;
	s9 =	sld [smem:$0x3FB3]  }
0x2f: {  	lr =	sadd.s32 s0, s3;
	s0 =	sld [smem:$0x3FAA]  }
0x30: {  	s3 =	sld [smem:$0x3FAD]  }
0x31: {  	[smem:$0x3FB6] =	sst s10  }
0x32: {  	s10 =	sld [smem:$0x3FB4];
	_ =	sdelay $0x3  }
0x33: {  	p0 =	seq.s32 s10, $0x1;
	s10 =	sld [smem:$0x3FB6];
	_ =	sdelay $0x3  }
0x34: {  	[smem:$0x3FB6] =	sst s10  }
0x35: {  	s10 =	sld [smem:$0x3FB5];
	_ =	sdelay $0x3  }
0x36: {  	p1 =	seq.s32 s10, $0x1;
	s10 =	sld [smem:$0x3FB6];
	_ =	sdelay $0x3  }
0x37: {  	[smem:$0x3FB6] =	sst s10  }
0x38: {  	s10 =	sld [smem:$0x3FB7]  }
0x39: {  	_ = 	snop;
	(pc) =	sbr.ind lr, $3  }
0x3a: {  	_ = 	snop  }
0x3b: {  	_ = 	snop  }
0x3c: {  	p2 =	seq.s32 s10, $0x1;
	s10 =	sld [smem:$0x3FB6]  }
0x3d: {  	_ =	shalt  }
0x3e: {  	_ =	shalt  }
0x3f: {  	_ =	shalt  }
0x40: {  	_ =	shalt  }
0x41: {  	_ =	shalt  }
0x42: {  	_ =	shalt  }
0x43: {  	_ =	shalt  }
0x44: {  	_ =	shalt  }
0x45: {  	_ =	shalt  }
0x46: {  	_ =	shalt  }
0x47: {  	_ =	shalt  }
0x48: {  	_ =	shalt  }
0x49: {  	_ =	shalt  }
0x4a: {  	_ =	shalt  }
0x4b: {  	_ =	shalt  }
0x4c: {  	_ =	shalt  }
0x4d: {  	_ =	shalt  }
0x4e: {  	_ =	shalt  }
0x4f: {  	_ =	shalt  }
0x50: {  	_ =	shalt  }
0x51: {  	_ =	shalt  }
0x52: {  	_ =	shalt  }
0x53: {  	_ =	shalt  }
0x54: {  	_ =	shalt  }
0x55: {  	_ =	shalt  }
0x56: {  	_ =	shalt  }
0x57: {  	_ =	shalt  }
0x58: {  	_ =	shalt  }
0x59: {  	_ =	shalt  }
0x5a: {  	_ =	shalt  }
0x5b: {  	_ =	shalt  }
0x5c: {  	_ =	shalt  }
0x5d: {  	_ =	shalt  }
0x5e: {  	_ =	shalt  }
0x5f: {  	_ =	shalt  }
0x60: {  	_ =	shalt  }
0x61: {  	_ =	shalt  }
0x62: {  	_ =	shalt  }
0x63: {  	_ =	shalt  }
0x64: {  	_ =	shalt  }
0x65: {  	_ =	shalt  }
0x66: {  	_ =	shalt  }
0x67: {  	_ =	shalt  }
0x68: {  	_ =	shalt  }
0x69: {  	_ =	shalt  }
0x6a: {  	_ =	shalt  }
0x6b: {  	_ =	shalt  }
0x6c: {  	_ =	shalt  }
0x6d: {  	_ =	shalt  }
0x6e: {  	_ =	shalt  }
0x6f: {  	_ =	shalt  }
0x70: {  	_ =	shalt  }
0x71: {  	_ =	shalt  }
0x72: {  	_ =	shalt  }
0x73: {  	_ =	shalt  }
0x74: {  	_ =	shalt  }
0x75: {  	_ =	shalt  }
0x76: {  	_ =	shalt  }
0x77: {  	_ =	shalt  }
0x78: {  	_ =	shalt  }
0x79: {  	_ =	shalt  }
0x7a: {  	_ =	shalt  }
0x7b: {  	_ =	shalt  }
0x7c: {  	_ =	shalt  }
0x7d: {  	_ =	shalt  }
0x7e: {  	_ =	shalt  }
0x7f: {  	_ =	shalt  }
0x80: {  	_ =	shalt  }
0x81: {  	_ =	shalt  }
0x82: {  	_ =	shalt  }
0x83: {  	_ =	shalt  }
0x84: {  	_ =	shalt  }
0x85: {  	_ =	shalt  }
0x86: {  	_ =	shalt  }
0x87: {  	_ =	shalt  }
.Lfunc_end0:
.L_simem_size_0:
called_computation_lowered:
.L_overlay_start_0:
0x88: {  	s2 =	sld [smem:$0x3FD9]  }
0x89: {  	s3 =	sld [smem:$0x3FFE];
	_ =	sdelay $0x1  }
0x8a: {  	s1 =	srdreg.scid  }
0x8b: {  	s0 =	sand.u32 $0x1, s1  }
0x8c: {  	s17 =	sshll.u32 s0, $0xA;
	s2 =	sadd.s32 s3, s2  }
0x8d: {  	s2 =	sadd.s32 s2, s17  }
0x8e: {  	[smem:$0x3FC2] =	sst s2  }
0x8f: {  	_ = 	snop  }
0x90: {  	s2 =	sld [smem:$0x3FD0];
	(tm) =	ssettm $0x1  }
0x91: {  	s18 =	sld [smem:$0x3FFB];
	_ =	sdelay $0x3  }
0x92: {  	_ =	strace s18  }
0x93: {  	s3 =	sld [smem:$0x3FFC];
	_ =	sdelay $0x3  }
0x94: {  	_ =	strace s3  }
0x95: {  	s3 =	sld [smem:$0x3FFD];
	_ =	sdelay $0x3  }
0x96: {  	_ =	strace s3  }
0x97: {  	_ =	strace $0x8FFFFFFF  }
0x98: {  	s19 =	sld [smem:$0x3FDB];
	_ =	sdelay $0x1  }
0x99: {  	s4 =	simm.s32 $_scs_section_size  }
0x9a: {  	s5 =	simm.s32 $_size__tile_overlayer_lowered;
	s6 =	simm.s32 $_tile_overlayer_lowered  }
0x9b: {  	s22 =	simm.s32 $0x1BFF;
	s21 =	sshll.u32 s6, $0x1;
	s3 =	sadd.s32 s4, s19  }
0x9c: {  	s7 =	simm.s32 $0x0;
	s20 =	sshll.u32 s5, $0x1;
	s5 =	sadd.s32 s21, s3  }
0x9d: {  	[timem:s7], [sflag:s22] =	dma.local [hbm:s5], s20  }
0x9e: {  	_ =	swait.ge [sflag:s22], s20  }
0x9f: {  	s4 =	ssub.s32 $0x0, s20;
	[sflag:s22] =	ssyncset.done $0x0  }
0xa0: {  	[sflag:s22] =	ssyncadd.s32 s4;
	_ =	sdelay $0x1  }
0xa1: {  	s23 =	simm.s32 $0x1B8B  }
0xa2: {  	_ =	swait.ge [sflag:s23], $0x1  }
0xa3: {  	[sflag:s23] =	ssyncset.done $0x0  }
0xa4: {  	s25 =	simm.s32 $0x1B8E;
	s24 =	sld [smem:$0x3FFE];
	[sflag:s23] =	ssyncadd.s32 $0xFFFFFFFF  }
0xa5: {  	s26 =	simm.s32 $execute0_lowered;
	[smem:$0x3FD2] =	sst s25  }
0xa6: {  	s5 =	sshll.u32 s26, $0x1;
	_ =	strace $0x80000046;
	[dreg:$0x1] =	wrdreg $0xFFFFFFFF  }
0xa7: {  	s28 =	simm.s32 $_size_execute0_lowered;
	s3 =	sadd.s32 s3, s5;
	[dreg:$0x0] =	wrdreg $0x0  }
0xa8: {  	s5 =	sshll.u32 s28, $0x1;
	[dreg:$0x2] =	wrdreg s3  }
0xa9: {  	[dreg:$0x3] =	wrdreg s5  }
0xaa: {  	[dreg:$0x4] =	wrdreg $0xC0  }
0xab: {  	_ =	task [dreg:s7], $0x5FFFF  }
0xac: {  	[dreg:$0x1] =	wrdreg $0xFFFFFFFF  }
0xad: {  	[dreg:$0x0] =	wrdreg $0x60  }
0xae: {  	[dreg:$0x2] =	wrdreg s2  }
0xaf: {  	[dreg:$0x3] =	wrdreg s24  }
0xb0: {  	[dreg:$0x4] =	wrdreg $0x30800  }
0xb1: {  	[dreg:$0x5] =	wrdreg $0x9  }
0xb2: {  	_ =	task.clear_ibuf [dreg:s7], $0x6FFFF;
	_ =	strace $0x90000046  }
0xb3: {  	s29 =	simm.s32 $0x9;
	_ =	strace $0x80000048  }
0xb4: {  	_ =	swait.ge [sflag:s29], $0x1  }
0xb5: {  	[sflag:s29] =	ssyncadd.s32 $0xFFFFFFFF  }
0xb6: {  	_ =	strace $0x90000048  }
0xb7: {  	_ =	sfence  }
0xb8: {  	s30 =	sld [smem:$0x0];
	_ =	sdelay $0x2  }
0xb9: {  	s31 =	sshll.u32 s1, $0xD;
	s1 =	sshrl.u32 s1, $0x2  }
0xba: {  	s3 =	sand.u32 $0x4000, s31;
	s1 =	sadd.s32 s1, s30  }
0xbb: {  	s0 =	sor.u32 s3, s0;
	s1 =	sshll.u32 s1, $0x11  }
0xbc: {  	s0 =	sor.u32 s1, s0  }
0xbd: {  	s0 =	sadd.s32 $0x8F2B, s0  }
0xbe: {  	[sflag:s0] =	ssyncadd.remote.s32 $0x1  }
0xbf: {  	_ =	sfence.sel $0xFFFF  }
0xc0: {  	[dreg:$0x0] =	wrdreg $0xFFFFFFFF;
	(pc) =	sbr.abs _section_cstart, $3  }
0xc1: {  	[dreg:$0x1] =	wrdreg $0xFFFFFFFF  }
0xc2: {  	_ =	task.clear_ibuf [dreg:s7], $0x2FFFF;
	_ =	strace $0x9FFFFFFF  }
0xc3: {  	(tm) =	ssettm $0x7FFFFFFF  }
tec
execute0_lowered:
.L_overlay_start_1:
0x0: {  	(tag) =	ssettag $0x1  }
0x1: {  	s5 =	rddreg [dreg:$0x0]  }
0x2: {  	s6 =	rddreg [dreg:$0x1]  }
0x3: {  	s2 =	rddreg [dreg:$0x2]  }
0x4: {  	s0 =	rddreg [dreg:$0x3];
	s4 =	srdreg.scid  }
0x5: {  	s1 =	stileid.u32;
	s3 =	simm.s32 $0x0;
	s12 =	simm.s32 $0x80  }
0x6: {  	s13 =	simm.s32 $0x3000;
	s16 =	simm.s32 $0x0;
	s4 =	sand.u32 $0x1, s4  }
0x7: {  	s7 =	smul.u32 $0x280, s1;
	[smem:$0x7FF] =	sst s3;
	s9 =	sshll.u32 s1, $0x1  }
0x8: {  	s14 =	sshll.u32 s1, $0x6;
	s8 =	smul.u32 $0x2800, s4;
	_ =	strace $0x80000047  }
0x9: {  	v0 =	vlaneseq.u32;
	s9 =	sor.u32 s4, s9;
	s10 =	ssub.s32 $0x2, s4;
	s4 =	sadd.s32 $0xC200, s6  }
0xa: {  	v0 =	vmul.u32 $0x10, v0;
	s9 =	smul.u32 $0x500, s9;
	s11 =	sshrl.u32 s10, $0x1;
	s8 =	sadd.s32 s7, s8  }
0xb: {  	s14 =	sor.u32 $0x1C02, s14;
	s10 =	ssub.s32 s10, s11;
	s8 =	sshrl.u32 s8, $0x3  }
0xc: {  	v1 =	vimm.f32 $1.000000000e+00;
	v9 =	vimm.f32 $0.0e+00;
	v2 =	vor.u32 $0x100, v0;
	s11 =	simm.s32 $0x1;
	s5 =	sadd.s32 s5, s9;
	s8 =	sadd.s32 s8, s6  }
0xd: {  	v3 =	vor.u32 $0x200, v0;
	v4 =	vor.u32 $0x300, v0;
	v5 =	vor.u32 $0x400, v0;
	s9 =	simm.s32 $0x2800;
	s6 =	sadd.s32 s7, s2;
	s7 =	sadd.s32 $0xC400, s8  }
0xe: {  	v6 =	vor.u32 $0x500, v0;
	v7 =	vor.u32 $0x600, v0;
	v8 =	vor.u32 $0x700, v0;
	s8 =	smax.u32 s10, $0x1;
	s10 =	simm.s32 $0x2;
	s15 =	sshrl.u32 s6, $0x3  }
.LBB2_1:
0xf: {  	[tilespmem:s3], [sflag:$0x1] =	stream.linear.gather [hbm4b:s5+s3], $0x2800, $0x38;
	[tilespmem:$0x3300] =	vst v63  }
0x10: {  	_ = 	snop  }
0x11: {  	[tilespmem:s9], [sflag:$0x2] =	stream.linear.gather [hbm4b:s4+s3], $0x800, $0x38;
	[tilespmem:$0x3300] =	vst v63  }
0x12: {  	_ =	swait.ge [sflag:s10], $0x800  }
0x13: {  	[sflag:s10] =	ssyncset.done $0x0  }
0x14: {  	[sflag:s10] =	ssyncadd.s32 $0xFFFFF800  }
0x15: {  	[spmem:s6] =	stream.linear.scatter [tilespmem:s9], [sflag:$0x2], $0x280, $0x38;
	[tilespmem:$0x3300] =	vst v63  }
0x16: {  	_ =	swait.ge [sflag:s10], $0x280  }
0x17: {  	[sflag:s10] =	ssyncset.done $0x0  }
0x18: {  	[sflag:s10] =	ssyncadd.s32 $0xFFFFFD80  }
0x19: {  	_ =	swait.ge [sflag:s11], $0x2800  }
0x1a: {  	[sflag:s11] =	ssyncset.done $0x0  }
0x1b: {  	[sflag:s11] =	ssyncadd.s32 $0xFFFFD800  }
0x1c: {  	s17 =	simm.s32 $0x0;
	[bflag:$0x0] =	sbarrier.arrive $0xFFFF  }
.LBB2_2:
0x1d: {  	s18 =	sshra.s32 s17, $0x2  }
0x1e: {  	v10 =	vld [tilespmem:s18+$0x0];
	_ =	sdelay $0x4  }
0x1f: {  	v11 =	vand.u32 $0xF, v10  }
0x20: {  	v11 =	vor.u32 v0, v11;
	_ =	sdelay $0x2  }
0x21: {  	v10 =	vshrl.u32 v10, $0x4  }
0x22: {  	[tilespmem:$0x3000] =	vst v10  }
0x23: {  	[tilespmem:v11+s9+$0x0] =	vst.idx.msk $0xffff, v1  }
0x24: {  	v10 =	vld [tilespmem:s18+$0x10];
	_ =	sdelay $0x4  }
0x25: {  	v11 =	vand.u32 $0xF, v10  }
0x26: {  	v11 =	vor.u32 v2, v11;
	_ =	sdelay $0x2  }
0x27: {  	v10 =	vshrl.u32 v10, $0x4  }
0x28: {  	[tilespmem:$0x3010] =	vst v10  }
0x29: {  	[tilespmem:v11+s9+$0x0] =	vst.idx.msk $0xffff, v1  }
0x2a: {  	v10 =	vld [tilespmem:s18+$0x20];
	_ =	sdelay $0x4  }
0x2b: {  	v11 =	vand.u32 $0xF, v10  }
0x2c: {  	v11 =	vor.u32 v3, v11;
	_ =	sdelay $0x2  }
0x2d: {  	v10 =	vshrl.u32 v10, $0x4  }
0x2e: {  	[tilespmem:$0x3020] =	vst v10  }
0x2f: {  	[tilespmem:v11+s9+$0x0] =	vst.idx.msk $0xffff, v1  }
0x30: {  	v10 =	vld [tilespmem:s18+$0x30];
	_ =	sdelay $0x4  }
0x31: {  	v11 =	vand.u32 $0xF, v10  }
0x32: {  	v11 =	vor.u32 v4, v11;
	_ =	sdelay $0x2  }
0x33: {  	v10 =	vshrl.u32 v10, $0x4  }
0x34: {  	[tilespmem:$0x3030] =	vst v10  }
0x35: {  	[tilespmem:v11+s9+$0x0] =	vst.idx.msk $0xffff, v1  }
0x36: {  	v10 =	vld [tilespmem:s18+$0x40];
	_ =	sdelay $0x4  }
0x37: {  	v11 =	vand.u32 $0xF, v10  }
0x38: {  	v11 =	vor.u32 v5, v11;
	_ =	sdelay $0x2  }
0x39: {  	v10 =	vshrl.u32 v10, $0x4  }
0x3a: {  	[tilespmem:$0x3040] =	vst v10  }
0x3b: {  	[tilespmem:v11+s9+$0x0] =	vst.idx.msk $0xffff, v1  }
0x3c: {  	v10 =	vld [tilespmem:s18+$0x50];
	_ =	sdelay $0x4  }
0x3d: {  	v11 =	vand.u32 $0xF, v10  }
0x3e: {  	v11 =	vor.u32 v6, v11;
	_ =	sdelay $0x2  }
0x3f: {  	v10 =	vshrl.u32 v10, $0x4  }
0x40: {  	[tilespmem:$0x3050] =	vst v10  }
0x41: {  	[tilespmem:v11+s9+$0x0] =	vst.idx.msk $0xffff, v1  }
0x42: {  	v10 =	vld [tilespmem:s18+$0x60];
	_ =	sdelay $0x4  }
0x43: {  	v11 =	vand.u32 $0xF, v10  }
0x44: {  	v11 =	vor.u32 v7, v11;
	_ =	sdelay $0x2  }
0x45: {  	v10 =	vshrl.u32 v10, $0x4  }
0x46: {  	[tilespmem:$0x3060] =	vst v10  }
0x47: {  	[tilespmem:v11+s9+$0x0] =	vst.idx.msk $0xffff, v1  }
0x48: {  	v10 =	vld [tilespmem:s18+$0x70];
	_ =	sdelay $0x4  }
0x49: {  	v11 =	vand.u32 $0xF, v10  }
0x4a: {  	v11 =	vor.u32 v8, v11;
	_ =	sdelay $0x2  }
0x4b: {  	v10 =	vshrl.u32 v10, $0x4  }
0x4c: {  	[tilespmem:$0x3070] =	vst v10  }
0x4d: {  	[tilespmem:v11+s9+$0x0] =	vst.idx.msk $0xffff, v1  }
0x4e: {  	[spmem:s2] =	stream.indirect.scatter.add.f32 [tilespmem:s9], [sflag:$0x2], $0x10, s13, s12, $0xb8;
	[tilespmem:$0x3300] =	vst v63  }
0x4f: {  	_ =	swait.ge [sflag:s10], $0x800  }
0x50: {  	[sflag:s10] =	ssyncset.done $0x0  }
0x51: {  	[sflag:s10] =	ssyncadd.s32 $0xFFFFF800  }
0x52: {  	v10 =	vld [tilespmem:s18+$0x0];
	_ =	sdelay $0x4  }
0x53: {  	v10 =	vand.u32 $0xF, v10  }
0x54: {  	v10 =	vor.u32 v0, v10;
	_ =	sdelay $0x4  }
0x55: {  	[tilespmem:v10+s9+$0x0] =	vst.idx.msk $0xffff, v9  }
0x56: {  	v10 =	vld [tilespmem:s18+$0x10];
	_ =	sdelay $0x4  }
0x57: {  	v10 =	vand.u32 $0xF, v10  }
0x58: {  	v10 =	vor.u32 v2, v10;
	_ =	sdelay $0x4  }
0x59: {  	[tilespmem:v10+s9+$0x0] =	vst.idx.msk $0xffff, v9  }
0x5a: {  	v10 =	vld [tilespmem:s18+$0x20];
	_ =	sdelay $0x4  }
0x5b: {  	v10 =	vand.u32 $0xF, v10  }
0x5c: {  	v10 =	vor.u32 v3, v10;
	_ =	sdelay $0x4  }
0x5d: {  	[tilespmem:v10+s9+$0x0] =	vst.idx.msk $0xffff, v9  }
0x5e: {  	v10 =	vld [tilespmem:s18+$0x30];
	_ =	sdelay $0x4  }
0x5f: {  	v10 =	vand.u32 $0xF, v10  }
0x60: {  	v10 =	vor.u32 v4, v10;
	_ =	sdelay $0x4  }
0x61: {  	[tilespmem:v10+s9+$0x0] =	vst.idx.msk $0xffff, v9  }
0x62: {  	v10 =	vld [tilespmem:s18+$0x40];
	_ =	sdelay $0x4  }
0x63: {  	v10 =	vand.u32 $0xF, v10  }
0x64: {  	v10 =	vor.u32 v5, v10;
	_ =	sdelay $0x4  }
0x65: {  	[tilespmem:v10+s9+$0x0] =	vst.idx.msk $0xffff, v9  }
0x66: {  	v10 =	vld [tilespmem:s18+$0x50];
	_ =	sdelay $0x4  }
0x67: {  	v10 =	vand.u32 $0xF, v10  }
0x68: {  	v10 =	vor.u32 v6, v10;
	_ =	sdelay $0x4  }
0x69: {  	[tilespmem:v10+s9+$0x0] =	vst.idx.msk $0xffff, v9  }
0x6a: {  	v10 =	vld [tilespmem:s18+$0x60];
	_ =	sdelay $0x4  }
0x6b: {  	v10 =	vand.u32 $0xF, v10  }
0x6c: {  	v10 =	vor.u32 v7, v10;
	_ =	sdelay $0x4  }
0x6d: {  	[tilespmem:v10+s9+$0x0] =	vst.idx.msk $0xffff, v9  }
0x6e: {  	v10 =	vld [tilespmem:s18+$0x70];
	_ =	sdelay $0x4  }
0x6f: {  	v10 =	vand.u32 $0xF, v10  }
0x70: {  	p0 =	sne.s32 s17, $0x9E00;
	v10 =	vor.u32 v8, v10  }
.Ltmp0:
0x71: {  	_ = 	snop;
	(pc) =	sbr.rel @p0 .LBB2_2-.Ltmp0, $2  }
0x72: {  	_ =	sdelay $0x2  }
0x73: {  	s17 =	sadd.s32 $0x200, s17;
	[tilespmem:v10+s9+$0x0] =	vst.idx.msk $0xffff, v9  }
0x74: {  	s16 =	sadd.s32 $0x1, s16  }
0x75: {  	p0 =	sne.s32 s16, s8  }
.Ltmp1:
0x76: {  	[bflag:$0x0] =	sbarrier.arrive $0xFFFF;
	(pc) =	sbr.rel @p0 .LBB2_1-.Ltmp1, $4  }
0x77: {  	[hbm:s7], [sflag:s14] =	dma.local [spmem:s15], $0x50  }
0x78: {  	_ =	swait.ge [sflag:s10], $0x50  }
0x79: {  	[sflag:s10] =	ssyncset.done $0x0  }
0x7a: {  	[sflag:s10] =	ssyncadd.s32 $0xFFFFFFB0  }
0x7b: {  	_ =	sfence.sel $0x180000  }
0x7c: {  	[bflag:$0x0] =	sbarrier.arrive $0xFFFF  }
0x7d: {  	p0 =	sne.s32 s1, $0x0;
	_ =	strace $0x90000047  }
0x7e: {  	s0 =	sadd.s32 @!p0 $0x100000, s0;
	[bflag:$0x2] =	sbarrier.arrive $0xFFFF  }
0x7f: {  	[sflag:s0] =	ssyncadd.tile.s32 @!p0 $0x1;
	_ =	shalt  }
.Lfunc_end2:
_tile_overlayer_lowered:
.L_overlay_start_2:
0x80: {  	(tag) =	ssettag $0x2  }
0x81: {  	s0 =	rddreg [dreg:$0x0];
	s2 =	stileid.u32  }
0x82: {  	s1 =	rddreg [dreg:$0x1];
	p0 =	sne.s32 s2, $0x0  }
0x83: {  	s3 =	rddreg [dreg:$0x2];
	[bflag:$0x3] =	sbarrier.arrive $0xFFFF;
	s2 =	simm.s32 @!p0 $0x1C02  }
0x84: {  	[timem:s3], [sflag:s2] =	dma.local @!p0 [hbm:s0], s1  }
0x85: {  	s0 =	simm.s32 @!p0 $0x2  }
0x86: {  	_ =	swait.ge @!p0 [sflag:s0], s1  }
0x87: {  	s1 =	ssub.s32 @!p0 $0x0, s1;
	[sflag:s0] =	ssyncset.done @!p0 $0x0  }
0x88: {  	[sflag:s0] =	ssyncadd.s32 @!p0 s1  }
0x89: {  	[bflag:$0x3] =	sbarrier.arrive $0xFFFF  }
0x8a: {  	_ =	shalt  }

</sc_bundles>
